<compile_context>
chip_gen: v7x
topology: tpu7x:2x2x1
jax: 0.10.2.dev20260603
libtpu: 0.0.44.dev20260713+nightly
codegen_flags: <defaults>
</compile_context>

<pallas_src>
import functools

import jax
import jax.numpy as jnp
from jax import lax
from jax.experimental import pallas as pl
from jax.experimental.pallas import tpu as pltpu
from jax.experimental.pallas import tpu_sc as plsc

_NC = 2
_NS = 16
_NW = _NC * _NS


def _make_sc_gather(B, bpw):
  mesh = plsc.VectorSubcoreMesh(core_axis_name="c", subcore_axis_name="s")

  @functools.partial(
      pl.kernel,
      mesh=mesh,
      out_type=[
          jax.ShapeDtypeStruct((B * 4, 128), jnp.float32),
          jax.ShapeDtypeStruct((B * 4, 128), jnp.float32),
          jax.ShapeDtypeStruct((B * 4, 128), jnp.float32),
          jax.ShapeDtypeStruct((B * 4, 128), jnp.float32),
      ],
      scratch_types=[
          pltpu.VMEM((bpw,), jnp.int32),
          pltpu.VMEM((2, 128), jnp.int32),
          pltpu.VMEM((bpw * 8, 128), jnp.float32),
          pltpu.VMEM((bpw * 8, 128), jnp.float32),
          pltpu.SemaphoreType.DMA,
          pltpu.SemaphoreType.DMA,
          pltpu.SemaphoreType.DMA,
          pltpu.SemaphoreType.DMA,
          pltpu.SemaphoreType.DMA,
      ],
  )
  def gather_k(hid_hbm, cell_hbm, pos_hbm, h0out, h1out, c0out, c1out,
               pos_v, idx_v, hrows, crows, g0, g1, g2, g3, wsem):
    wid = lax.axis_index("s") * _NC + lax.axis_index("c")
    base = wid * bpw
    pltpu.sync_copy(pos_hbm.at[pl.ds(base, bpw)], pos_v)
    lane = lax.iota(jnp.int32, 16)
    dnum = lax.GatherDimensionNumbers(
        offset_dims=(), collapsed_slice_dims=(0,), start_index_map=(0,))
    for r in range(16):
      l = r // 8
      btl = (r // 2) & 3
      ht = 2 * (r % 2) + lax.shift_right_logical(lane, 3)
      bi = lax.bitwise_and(lane, 7)
      p16 = pos_v[pl.ds((btl // 2) * 16, 16)]
      gi = (btl & 1) * 8 + bi
      p = lax.gather(p16, gi[:, None], dnum, slice_sizes=(1,),
                     mode=lax.GatherScatterMode.PROMISE_IN_BOUNDS)
      b = base + btl * 8 + bi
      row = (p * B + b) * 8 + ht * 2 + l
      idx_v[r // 8, pl.ds((r % 8) * 16, 16)] = row
    gh0 = pltpu.async_copy(
        hid_hbm.at[idx_v.at[0]], hrows.at[pl.ds(0, 128)], g0)
    gc0 = pltpu.async_copy(
        cell_hbm.at[idx_v.at[0]], crows.at[pl.ds(0, 128)], g1)
    gh1 = pltpu.async_copy(
        hid_hbm.at[idx_v.at[1]], hrows.at[pl.ds(128, 128)], g2)
    gc1 = pltpu.async_copy(
        cell_hbm.at[idx_v.at[1]], crows.at[pl.ds(128, 128)], g3)
    dst = pl.ds(wid * 128, 128)
    gh0.wait()
    w0 = pltpu.async_copy(hrows.at[pl.ds(0, 128)], h0out.at[dst], wsem)
    gc0.wait()
    w2 = pltpu.async_copy(crows.at[pl.ds(0, 128)], c0out.at[dst], wsem)
    gh1.wait()
    w1 = pltpu.async_copy(hrows.at[pl.ds(128, 128)], h1out.at[dst], wsem)
    gc1.wait()
    w3 = pltpu.async_copy(crows.at[pl.ds(128, 128)], c1out.at[dst], wsem)
    for wcp in (w0, w2, w1, w3):
      wcp.wait()

  return gather_k


def _sig(x):
  return lax.logistic(x)


def _lstm_body(wi0_ref, wh0_ref, wi1_ref, wh1_ref, b0_ref, b1_ref,
               x_ref, op_ref, h0_ref, h1_ref, c0_ref, c1_ref,
               nh3_ref, nc3_ref, top_ref, *, H):
  dn = (((1,), (1,)), ((), ()))
  prec = None
  h0, h1 = h0_ref[...], h1_ref[...]
  c0, c1 = c0_ref[...], c1_ref[...]
  x = x_ref[...]
  g0 = lax.dot_general(x, wi0_ref[...], dn, precision=prec,
                       preferred_element_type=jnp.float32)
  g0 = g0 + lax.dot_general(h0, wh0_ref[...], dn, precision=prec,
                            preferred_element_type=jnp.float32)
  g0 = g0 + b0_ref[...]
  i0, f0, gg0, o0 = (g0[:, :H], g0[:, H:2 * H], g0[:, 2 * H:3 * H],
                     g0[:, 3 * H:])
  cn0 = _sig(f0) * c0 + _sig(i0) * jnp.tanh(gg0)
  hn0 = _sig(o0) * jnp.tanh(cn0)
  g1 = lax.dot_general(hn0, wi1_ref[...], dn, precision=prec,
                       preferred_element_type=jnp.float32)
  g1 = g1 + lax.dot_general(h1, wh1_ref[...], dn, precision=prec,
                            preferred_element_type=jnp.float32)
  g1 = g1 + b1_ref[...]
  i1, f1, gg1, o1 = (g1[:, :H], g1[:, H:2 * H], g1[:, 2 * H:3 * H],
                     g1[:, 3 * H:])
  cn1 = _sig(f1) * c1 + _sig(i1) * jnp.tanh(gg1)
  hn1 = _sig(o1) * jnp.tanh(cn1)
  for ht in range(4):
    sl = slice(ht * 128, (ht + 1) * 128)
    nh3_ref[:, 2 * ht, :] = hn0[:, sl]
    nh3_ref[:, 2 * ht + 1, :] = hn1[:, sl]
    nc3_ref[:, 2 * ht, :] = cn0[:, sl]
    nc3_ref[:, 2 * ht + 1, :] = cn1[:, sl]
  top_ref[...] = jnp.where(op_ref[...] == 1, hn1, h1)


def _lstm_call(x, h0, h1, c0, c1, wi0, wh0, b0, wi1, wh1, b1, op2):
  B, IN = x.shape
  H = 512
  G = 4 * H
  bm = 256
  grid = (B // bm,)
  bspec_act = pl.BlockSpec((bm, IN), lambda i: (i, 0))
  bspec_h = pl.BlockSpec((bm, 512), lambda i: (i, 0))
  bspec_3 = pl.BlockSpec((bm, 8, 128), lambda i: (i, 0, 0))
  bspec_w = pl.BlockSpec((G, IN), lambda i: (0, 0))
  bspec_wh = pl.BlockSpec((G, H), lambda i: (0, 0))
  bspec_b = pl.BlockSpec((1, G), lambda i: (0, 0))
  bspec_op = pl.BlockSpec((bm, 1), lambda i: (i, 0))
  out_shape = [jax.ShapeDtypeStruct((B, 8, 128), jnp.float32),
               jax.ShapeDtypeStruct((B, 8, 128), jnp.float32),
               jax.ShapeDtypeStruct((B, H), jnp.float32)]
  out_specs = [bspec_3, bspec_3, bspec_h]
  return pl.pallas_call(
      functools.partial(_lstm_body, H=H),
      grid=grid,
      in_specs=[bspec_w, bspec_wh, bspec_wh, bspec_wh, bspec_b, bspec_b,
                bspec_act, bspec_op,
                bspec_h, bspec_h, bspec_h, bspec_h],
      out_specs=out_specs,
      out_shape=out_shape,
      compiler_params=pltpu.CompilerParams(
          dimension_semantics=("arbitrary",)),
  )(wi0, wh0, wi1, wh1, b0, b1, x, op2, h0, h1, c0, c1)


def kernel(input, hidden_stack, cell_stack, W_ih0, W_hh0, b0,
           W_ih1, W_hh1, b1, pos, op):
  B = input.shape[0]
  S1, _, H, L = hidden_stack.shape
  hid_t = (hidden_stack.reshape(S1, B, 4, 128, 2)
           .transpose(0, 1, 2, 4, 3).reshape(S1 * B * 8, 128))
  cell_t = (cell_stack.reshape(S1, B, 4, 128, 2)
            .transpose(0, 1, 2, 4, 3).reshape(S1 * B * 8, 128))
  pos32 = pos.astype(jnp.int32)
  bpw = B // _NW
  gather_k = _make_sc_gather(B, bpw)
  h0r, h1r, c0r, c1r = gather_k(hid_t, cell_t, pos32)

  def _as_bh(rows):
    return (rows.reshape(B // 8, 4, 8, 128).transpose(0, 2, 1, 3)
            .reshape(B, 512))

  h0, h1, c0, c1 = map(_as_bh, (h0r, h1r, c0r, c1r))
  op2 = op.astype(jnp.int32).reshape(B, 1)
  nh3, nc3, top = _lstm_call(
      input, h0, h1, c0, c1, W_ih0, W_hh0, b0.reshape(1, 4 * H),
      W_ih1, W_hh1, b1.reshape(1, 4 * H), op2)
  next_hidden = (nh3.reshape(B, 4, 2, 128).transpose(0, 1, 3, 2)
                 .reshape(B, H, L))
  next_cell = (nc3.reshape(B, 4, 2, 128).transpose(0, 1, 3, 2)
               .reshape(B, H, L))
  return (top, next_hidden, next_cell)

# --- scband reference (transcript-rebuilt; emitter-appended) ---
"""Pipeline reference for scband-stack-lstm-60825326846607 (READ-ONLY COPY).

The authoritative reference and input builder live on the scoring server;
editing this copy changes nothing except your own understanding.
"""

import jax, jax.numpy as jnp
import numpy as np


def setup_inputs(seed: int = 0) -> dict:
    key = jax.random.key(seed)
    ks = jax.random.split(key, 12)
    B, H, L, S, IN = 1024, 512, 2, 32, 512
    inp = {}
    inp["input"] = jax.random.normal(ks[0], (B, IN), dtype=jnp.float32)
    inp["hidden_stack"] = jax.random.normal(ks[1], (S + 1, B, H, L), dtype=jnp.float32)
    inp["cell_stack"] = jax.random.normal(ks[2], (S + 1, B, H, L), dtype=jnp.float32)
    inp["W_ih0"] = jax.random.normal(ks[3], (4 * H, IN), dtype=jnp.float32) * 0.05
    inp["W_hh0"] = jax.random.normal(ks[4], (4 * H, H), dtype=jnp.float32) * 0.05
    inp["b0"] = jax.random.normal(ks[5], (4 * H,), dtype=jnp.float32) * 0.05
    inp["W_ih1"] = jax.random.normal(ks[6], (4 * H, H), dtype=jnp.float32) * 0.05
    inp["W_hh1"] = jax.random.normal(ks[7], (4 * H, H), dtype=jnp.float32) * 0.05
    inp["b1"] = jax.random.normal(ks[8], (4 * H,), dtype=jnp.float32) * 0.05
    inp["pos"] = jax.random.randint(ks[9], (B,), 0, S).astype(jnp.int64)
    inp["op"] = jax.random.randint(ks[10], (B,), 0, 2).astype(jnp.int64)
    return inp


def _lstm_cell(x, h, c, W_ih, W_hh, b):
    gates = x @ W_ih.T + h @ W_hh.T + b
    i, f, g, o = jnp.split(gates, 4, axis=1)
    cn = jax.nn.sigmoid(f) * c + jax.nn.sigmoid(i) * jnp.tanh(g)
    hn = jax.nn.sigmoid(o) * jnp.tanh(cn)
    return hn, cn


def reference(input, hidden_stack, cell_stack, W_ih0, W_hh0, b0, W_ih1, W_hh1, b1, pos, op):
    # Single hold_or_push step of StackLSTM followed by top():
    #   gather (hidden, cell) at stack position `pos` per batch element,
    #   run a 2-layer LSTM cell, scatter next states at pos+1,
    #   advance pos by op (push=1, hold=0) and read the top hidden state.
    B = input.shape[0]
    L = hidden_stack.shape[3]
    bidx = jnp.arange(B)
    h = hidden_stack[pos, bidx]  # (B, H, L) gather
    c = cell_stack[pos, bidx]    # (B, H, L) gather
    x = input
    weights = [(W_ih0, W_hh0, b0), (W_ih1, W_hh1, b1)]
    new_h, new_c = [], []
    for l in range(L):
        Wi, Wh, bb = weights[l]
        hn, cn = _lstm_cell(x, h[:, :, l], c[:, :, l], Wi, Wh, bb)
        new_h.append(hn)
        new_c.append(cn)
        x = hn
    next_hidden = jnp.stack(new_h, axis=2)  # (B, H, L)
    next_cell = jnp.stack(new_c, axis=2)    # (B, H, L)
    hidden_stack = hidden_stack.at[pos + 1, bidx].set(next_hidden)  # scatter-overwrite
    cell_stack = cell_stack.at[pos + 1, bidx].set(next_cell)        # scatter-overwrite
    new_pos = pos + op
    top = hidden_stack[new_pos, bidx][:, :, L - 1]  # (B, H) gather from updated stack
    return (top, next_hidden, next_cell)

if __name__ == "__main__":
    import jax
    _d = setup_inputs()
    print(jax.jit(kernel)(*tuple(_d.values())))

</pallas_src>

<mosaic_0001>
#map = affine_map<(d0, d1) -> (0, 0)>
#map1 = affine_map<(d0, d1) -> (0)>
module attributes {stable_mosaic.version = 14 : i64} {
  func.func @gather_k(%arg0: i32, %arg1: i32, %arg2: memref<270336x128xf32, #tpu.memory_space<hbm>>, %arg3: memref<270336x128xf32, #tpu.memory_space<hbm>>, %arg4: memref<1024xi32, #tpu.memory_space<hbm>>, %arg5: memref<4096x128xf32, #tpu.memory_space<hbm>>, %arg6: memref<4096x128xf32, #tpu.memory_space<hbm>>, %arg7: memref<4096x128xf32, #tpu.memory_space<hbm>>, %arg8: memref<4096x128xf32, #tpu.memory_space<hbm>>, %arg9: memref<32xi32, #tpu.memory_space<vmem>>, %arg10: memref<2x128xi32, #tpu.memory_space<vmem>>, %arg11: memref<256x128xf32, #tpu.memory_space<vmem>>, %arg12: memref<256x128xf32, #tpu.memory_space<vmem>>, %arg13: memref<!tpu.dma_semaphore, #tpu.memory_space<semaphore_mem>>, %arg14: memref<!tpu.dma_semaphore, #tpu.memory_space<semaphore_mem>>, %arg15: memref<!tpu.dma_semaphore, #tpu.memory_space<semaphore_mem>>, %arg16: memref<!tpu.dma_semaphore, #tpu.memory_space<semaphore_mem>>, %arg17: memref<!tpu.dma_semaphore, #tpu.memory_space<semaphore_mem>>) attributes {dimension_semantics = [#tpu.dimension_semantics<core_parallel>, #tpu.dimension_semantics<subcore_parallel>], iteration_bounds = array<i64: 2, 16>, scalar_prefetch = 0 : i64, scratch_operands = 9 : i64, tpu.core_type = #tpu.core_type<sc_vector_subcore>, window_params = [{transform_indices = #map}, {transform_indices = #map}, {transform_indices = #map1}, {transform_indices = #map}, {transform_indices = #map}, {transform_indices = #map}, {transform_indices = #map}]} {
    %mul3A = arith.constant 2 : i32
    %mul3A_0 = arith.muli %arg1, %mul3A : i32
    %add3A = arith.addi %mul3A_0, %arg0 : i32
    %mul3A_1 = arith.constant 32 : i32
    %mul3A_2 = arith.muli %add3A, %mul3A_1 : i32
    "tpu.region"() ({
      %run_scoped3A = tpu.sem_alloc : memref<!tpu.dma_semaphore, #tpu.memory_space<semaphore_mem>>
      %dma_start3A_829 = tpu.memref_slice %arg4[%mul3A_2] : memref<1024xi32, #tpu.memory_space<hbm>> -> memref<32xi32, #tpu.memory_space<hbm>>
      %dma_start3A_830 = tpu.memref_slice %arg4[%mul3A_2] : memref<1024xi32, #tpu.memory_space<hbm>> -> memref<32xi32, #tpu.memory_space<hbm>>
      tpu.enqueue_dma source(%dma_start3A_830 : memref<32xi32, #tpu.memory_space<hbm>>) target(%arg9 : memref<32xi32, #tpu.memory_space<vmem>>) target_semaphore(%run_scoped3A : memref<!tpu.dma_semaphore, #tpu.memory_space<semaphore_mem>>)
      %dma_wait3A_831 = tpu.memref_slice %arg4[%mul3A_2] : memref<1024xi32, #tpu.memory_space<hbm>> -> memref<32xi32, #tpu.memory_space<hbm>>
      %dma_wait3A_832 = tpu.memref_slice %arg4[%mul3A_2] : memref<1024xi32, #tpu.memory_space<hbm>> -> memref<32xi32, #tpu.memory_space<hbm>>
      tpu.wait_dma2 semaphore(%run_scoped3A : memref<!tpu.dma_semaphore, #tpu.memory_space<semaphore_mem>>) src(%dma_wait3A_832 : memref<32xi32, #tpu.memory_space<hbm>>) dst(%arg9 : memref<32xi32, #tpu.memory_space<vmem>>)
      tpu.yield
    }) : () -> ()
    %iota3A = tpu.iota {dimensions = array<i32: 0>} : vector<16xi32>
    %shift_right_logical3A = arith.constant 3 : i32
    %shift_right_logical3A_3 = vector.broadcast %shift_right_logical3A : i32 to vector<16xi32>
    %shift_right_logical3A_4 = arith.shrui %iota3A, %shift_right_logical3A_3 : vector<16xi32>
    %add3A_5 = arith.constant 0 : i32
    %add3A_6 = vector.broadcast %add3A_5 : i32 to vector<16xi32>
    %add3A_7 = arith.addi %add3A_6, %shift_right_logical3A_4 : vector<16xi32>
    %and3A = arith.constant 7 : i32
    %and3A_8 = vector.broadcast %and3A : i32 to vector<16xi32>
    %and3A_9 = arith.andi %iota3A, %and3A_8 : vector<16xi32>
    %get3A = arith.constant 0 : index
    %get3A_10 = tpu.vector_load %arg9[%get3A] {strides = array<i32>} : memref<32xi32, #tpu.memory_space<vmem>>, vector<16xi32>,
    %get3A_11 = vector.shape_cast %get3A_10 : vector<16xi32> to vector<16xi32>
    %add3A_12 = arith.constant 0 : i32
    %add3A_13 = vector.broadcast %add3A_12 : i32 to vector<16xi32>
    %add3A_14 = arith.addi %add3A_13, %and3A_9 : vector<16xi32>
    %broadcast_in_dim3A = vector.shape_cast %add3A_14 : vector<16xi32> to vector<16x1xi32>
    %gather3A = vector.shape_cast %broadcast_in_dim3A : vector<16x1xi32> to vector<16xi32>
    %gather3A_15 = tpu.dynamic_gather %get3A_11[%gather3A] in [0] : vector<16xi32>, vector<16xi32> -> vector<16xi32>
    %add3A_16 = arith.constant 0 : i32
    %add3A_17 = arith.addi %mul3A_2, %add3A_16 : i32
    %add3A_18 = vector.broadcast %add3A_17 : i32 to vector<16xi32>
    %add3A_19 = arith.addi %add3A_18, %and3A_9 : vector<16xi32>
    %mul3A_20 = arith.constant 1024 : i32
    %mul3A_21 = vector.broadcast %mul3A_20 : i32 to vector<16xi32>
    %mul3A_22 = arith.muli %gather3A_15, %mul3A_21 : vector<16xi32>
    %add3A_23 = arith.addi %mul3A_22, %add3A_19 : vector<16xi32>
    %mul3A_24 = arith.constant 8 : i32
    %mul3A_25 = vector.broadcast %mul3A_24 : i32 to vector<16xi32>
    %mul3A_26 = arith.muli %add3A_23, %mul3A_25 : vector<16xi32>
    %mul3A_27 = arith.constant 2 : i32
    %mul3A_28 = vector.broadcast %mul3A_27 : i32 to vector<16xi32>
    %mul3A_29 = arith.muli %add3A_7, %mul3A_28 : vector<16xi32>
    %add3A_30 = arith.addi %mul3A_26, %mul3A_29 : vector<16xi32>
    %add3A_31 = arith.constant 0 : i32
    %add3A_32 = vector.broadcast %add3A_31 : i32 to vector<16xi32>
    %add3A_33 = arith.addi %add3A_30, %add3A_32 : vector<16xi32>
    %swap3A = arith.constant 0 : i32
    %swap3A_34 = arith.index_cast %swap3A : i32 to index
    %swap3A_35 = arith.constant 0 : index
    %swap3A_36 = tpu.vector_load %arg10[%swap3A_34, %swap3A_35] {strides = array<i32>} : memref<2x128xi32, #tpu.memory_space<vmem>>, vector<1x16xi32>,
    %swap3A_37 = vector.shape_cast %swap3A_36 : vector<1x16xi32> to vector<16xi32>
    %swap3A_38 = vector.shape_cast %add3A_33 : vector<16xi32> to vector<1x16xi32>
    tpu.vector_store %arg10[%swap3A_34, %swap3A_35], %swap3A_38 {strides = array<i32>} : memref<2x128xi32, #tpu.memory_space<vmem>>, vector<1x16xi32>,
    %shift_right_logical3A_39 = arith.constant 3 : i32
    %shift_right_logical3A_40 = vector.broadcast %shift_right_logical3A_39 : i32 to vector<16xi32>
    %shift_right_logical3A_41 = arith.shrui %iota3A, %shift_right_logical3A_40 : vector<16xi32>
    %add3A_42 = arith.constant 2 : i32
    %add3A_43 = vector.broadcast %add3A_42 : i32 to vector<16xi32>
    %add3A_44 = arith.addi %add3A_43, %shift_right_logical3A_41 : vector<16xi32>
    %and3A_45 = arith.constant 7 : i32
    %and3A_46 = vector.broadcast %and3A_45 : i32 to vector<16xi32>
    %and3A_47 = arith.andi %iota3A, %and3A_46 : vector<16xi32>
    %get3A_48 = arith.constant 0 : index
    %get3A_49 = tpu.vector_load %arg9[%get3A_48] {strides = array<i32>} : memref<32xi32, #tpu.memory_space<vmem>>, vector<16xi32>,
    %get3A_50 = vector.shape_cast %get3A_49 : vector<16xi32> to vector<16xi32>
    %add3A_51 = arith.constant 0 : i32
    %add3A_52 = vector.broadcast %add3A_51 : i32 to vector<16xi32>
    %add3A_53 = arith.addi %add3A_52, %and3A_47 : vector<16xi32>
    %broadcast_in_dim3A_54 = vector.shape_cast %add3A_53 : vector<16xi32> to vector<16x1xi32>
    %gather3A_55 = vector.shape_cast %broadcast_in_dim3A_54 : vector<16x1xi32> to vector<16xi32>
    %gather3A_56 = tpu.dynamic_gather %get3A_50[%gather3A_55] in [0] : vector<16xi32>, vector<16xi32> -> vector<16xi32>
    %add3A_57 = arith.constant 0 : i32
    %add3A_58 = arith.addi %mul3A_2, %add3A_57 : i32
    %add3A_59 = vector.broadcast %add3A_58 : i32 to vector<16xi32>
    %add3A_60 = arith.addi %add3A_59, %and3A_47 : vector<16xi32>
    %mul3A_61 = arith.constant 1024 : i32
    %mul3A_62 = vector.broadcast %mul3A_61 : i32 to vector<16xi32>
    %mul3A_63 = arith.muli %gather3A_56, %mul3A_62 : vector<16xi32>
    %add3A_64 = arith.addi %mul3A_63, %add3A_60 : vector<16xi32>
    %mul3A_65 = arith.constant 8 : i32
    %mul3A_66 = vector.broadcast %mul3A_65 : i32 to vector<16xi32>
    %mul3A_67 = arith.muli %add3A_64, %mul3A_66 : vector<16xi32>
    %mul3A_68 = arith.constant 2 : i32
    %mul3A_69 = vector.broadcast %mul3A_68 : i32 to vector<16xi32>
    %mul3A_70 = arith.muli %add3A_44, %mul3A_69 : vector<16xi32>
    %add3A_71 = arith.addi %mul3A_67, %mul3A_70 : vector<16xi32>
    %add3A_72 = arith.constant 0 : i32
    %add3A_73 = vector.broadcast %add3A_72 : i32 to vector<16xi32>
    %add3A_74 = arith.addi %add3A_71, %add3A_73 : vector<16xi32>
    %swap3A_75 = arith.constant 0 : i32
    %swap3A_76 = arith.index_cast %swap3A_75 : i32 to index
    %swap3A_77 = arith.constant 16 : index
    %swap3A_78 = tpu.vector_load %arg10[%swap3A_76, %swap3A_77] {strides = array<i32>} : memref<2x128xi32, #tpu.memory_space<vmem>>, vector<1x16xi32>,
    %swap3A_79 = vector.shape_cast %swap3A_78 : vector<1x16xi32> to vector<16xi32>
    %swap3A_80 = vector.shape_cast %add3A_74 : vector<16xi32> to vector<1x16xi32>
    tpu.vector_store %arg10[%swap3A_76, %swap3A_77], %swap3A_80 {strides = array<i32>} : memref<2x128xi32, #tpu.memory_space<vmem>>, vector<1x16xi32>,
    %shift_right_logical3A_81 = arith.constant 3 : i32
    %shift_right_logical3A_82 = vector.broadcast %shift_right_logical3A_81 : i32 to vector<16xi32>
    %shift_right_logical3A_83 = arith.shrui %iota3A, %shift_right_logical3A_82 : vector<16xi32>
    %add3A_84 = arith.constant 0 : i32
    %add3A_85 = vector.broadcast %add3A_84 : i32 to vector<16xi32>
    %add3A_86 = arith.addi %add3A_85, %shift_right_logical3A_83 : vector<16xi32>
    %and3A_87 = arith.constant 7 : i32
    %and3A_88 = vector.broadcast %and3A_87 : i32 to vector<16xi32>
    %and3A_89 = arith.andi %iota3A, %and3A_88 : vector<16xi32>
    %get3A_90 = arith.constant 0 : index
    %get3A_91 = tpu.vector_load %arg9[%get3A_90] {strides = array<i32>} : memref<32xi32, #tpu.memory_space<vmem>>, vector<16xi32>,
    %get3A_92 = vector.shape_cast %get3A_91 : vector<16xi32> to vector<16xi32>
    %add3A_93 = arith.constant 8 : i32
    %add3A_94 = vector.broadcast %add3A_93 : i32 to vector<16xi32>
    %add3A_95 = arith.addi %add3A_94, %and3A_89 : vector<16xi32>
    %broadcast_in_dim3A_96 = vector.shape_cast %add3A_95 : vector<16xi32> to vector<16x1xi32>
    %gather3A_97 = vector.shape_cast %broadcast_in_dim3A_96 : vector<16x1xi32> to vector<16xi32>
    %gather3A_98 = tpu.dynamic_gather %get3A_92[%gather3A_97] in [0] : vector<16xi32>, vector<16xi32> -> vector<16xi32>
    %add3A_99 = arith.constant 8 : i32
    %add3A_100 = arith.addi %mul3A_2, %add3A_99 : i32
    %add3A_101 = vector.broadcast %add3A_100 : i32 to vector<16xi32>
    %add3A_102 = arith.addi %add3A_101, %and3A_89 : vector<16xi32>
    %mul3A_103 = arith.constant 1024 : i32
    %mul3A_104 = vector.broadcast %mul3A_103 : i32 to vector<16xi32>
    %mul3A_105 = arith.muli %gather3A_98, %mul3A_104 : vector<16xi32>
    %add3A_106 = arith.addi %mul3A_105, %add3A_102 : vector<16xi32>
    %mul3A_107 = arith.constant 8 : i32
    %mul3A_108 = vector.broadcast %mul3A_107 : i32 to vector<16xi32>
    %mul3A_109 = arith.muli %add3A_106, %mul3A_108 : vector<16xi32>
    %mul3A_110 = arith.constant 2 : i32
    %mul3A_111 = vector.broadcast %mul3A_110 : i32 to vector<16xi32>
    %mul3A_112 = arith.muli %add3A_86, %mul3A_111 : vector<16xi32>
    %add3A_113 = arith.addi %mul3A_109, %mul3A_112 : vector<16xi32>
    %add3A_114 = arith.constant 0 : i32
    %add3A_115 = vector.broadcast %add3A_114 : i32 to vector<16xi32>
    %add3A_116 = arith.addi %add3A_113, %add3A_115 : vector<16xi32>
    %swap3A_117 = arith.constant 0 : i32
    %swap3A_118 = arith.index_cast %swap3A_117 : i32 to index
    %swap3A_119 = arith.constant 32 : index
    %swap3A_120 = tpu.vector_load %arg10[%swap3A_118, %swap3A_119] {strides = array<i32>} : memref<2x128xi32, #tpu.memory_space<vmem>>, vector<1x16xi32>,
    %swap3A_121 = vector.shape_cast %swap3A_120 : vector<1x16xi32> to vector<16xi32>
    %swap3A_122 = vector.shape_cast %add3A_116 : vector<16xi32> to vector<1x16xi32>
    tpu.vector_store %arg10[%swap3A_118, %swap3A_119], %swap3A_122 {strides = array<i32>} : memref<2x128xi32, #tpu.memory_space<vmem>>, vector<1x16xi32>,
    %shift_right_logical3A_123 = arith.constant 3 : i32
    %shift_right_logical3A_124 = vector.broadcast %shift_right_logical3A_123 : i32 to vector<16xi32>
    %shift_right_logical3A_125 = arith.shrui %iota3A, %shift_right_logical3A_124 : vector<16xi32>
    %add3A_126 = arith.constant 2 : i32
    %add3A_127 = vector.broadcast %add3A_126 : i32 to vector<16xi32>
    %add3A_128 = arith.addi %add3A_127, %shift_right_logical3A_125 : vector<16xi32>
    %and3A_129 = arith.constant 7 : i32
    %and3A_130 = vector.broadcast %and3A_129 : i32 to vector<16xi32>
    %and3A_131 = arith.andi %iota3A, %and3A_130 : vector<16xi32>
    %get3A_132 = arith.constant 0 : index
    %get3A_133 = tpu.vector_load %arg9[%get3A_132] {strides = array<i32>} : memref<32xi32, #tpu.memory_space<vmem>>, vector<16xi32>,
    %get3A_134 = vector.shape_cast %get3A_133 : vector<16xi32> to vector<16xi32>
    %add3A_135 = arith.constant 8 : i32
    %add3A_136 = vector.broadcast %add3A_135 : i32 to vector<16xi32>
    %add3A_137 = arith.addi %add3A_136, %and3A_131 : vector<16xi32>
    %broadcast_in_dim3A_138 = vector.shape_cast %add3A_137 : vector<16xi32> to vector<16x1xi32>
    %gather3A_139 = vector.shape_cast %broadcast_in_dim3A_138 : vector<16x1xi32> to vector<16xi32>
    %gather3A_140 = tpu.dynamic_gather %get3A_134[%gather3A_139] in [0] : vector<16xi32>, vector<16xi32> -> vector<16xi32>
    %add3A_141 = arith.constant 8 : i32
    %add3A_142 = arith.addi %mul3A_2, %add3A_141 : i32
    %add3A_143 = vector.broadcast %add3A_142 : i32 to vector<16xi32>
    %add3A_144 = arith.addi %add3A_143, %and3A_131 : vector<16xi32>
    %mul3A_145 = arith.constant 1024 : i32
    %mul3A_146 = vector.broadcast %mul3A_145 : i32 to vector<16xi32>
    %mul3A_147 = arith.muli %gather3A_140, %mul3A_146 : vector<16xi32>
    %add3A_148 = arith.addi %mul3A_147, %add3A_144 : vector<16xi32>
    %mul3A_149 = arith.constant 8 : i32
    %mul3A_150 = vector.broadcast %mul3A_149 : i32 to vector<16xi32>
    %mul3A_151 = arith.muli %add3A_148, %mul3A_150 : vector<16xi32>
    %mul3A_152 = arith.constant 2 : i32
    %mul3A_153 = vector.broadcast %mul3A_152 : i32 to vector<16xi32>
    %mul3A_154 = arith.muli %add3A_128, %mul3A_153 : vector<16xi32>
    %add3A_155 = arith.addi %mul3A_151, %mul3A_154 : vector<16xi32>
    %add3A_156 = arith.constant 0 : i32
    %add3A_157 = vector.broadcast %add3A_156 : i32 to vector<16xi32>
    %add3A_158 = arith.addi %add3A_155, %add3A_157 : vector<16xi32>
    %swap3A_159 = arith.constant 0 : i32
    %swap3A_160 = arith.index_cast %swap3A_159 : i32 to index
    %swap3A_161 = arith.constant 48 : index
    %swap3A_162 = tpu.vector_load %arg10[%swap3A_160, %swap3A_161] {strides = array<i32>} : memref<2x128xi32, #tpu.memory_space<vmem>>, vector<1x16xi32>,
    %swap3A_163 = vector.shape_cast %swap3A_162 : vector<1x16xi32> to vector<16xi32>
    %swap3A_164 = vector.shape_cast %add3A_158 : vector<16xi32> to vector<1x16xi32>
    tpu.vector_store %arg10[%swap3A_160, %swap3A_161], %swap3A_164 {strides = array<i32>} : memref<2x128xi32, #tpu.memory_space<vmem>>, vector<1x16xi32>,
    %shift_right_logical3A_165 = arith.constant 3 : i32
    %shift_right_logical3A_166 = vector.broadcast %shift_right_logical3A_165 : i32 to vector<16xi32>
    %shift_right_logical3A_167 = arith.shrui %iota3A, %shift_right_logical3A_166 : vector<16xi32>
    %add3A_168 = arith.constant 0 : i32
    %add3A_169 = vector.broadcast %add3A_168 : i32 to vector<16xi32>
    %add3A_170 = arith.addi %add3A_169, %shift_right_logical3A_167 : vector<16xi32>
    %and3A_171 = arith.constant 7 : i32
    %and3A_172 = vector.broadcast %and3A_171 : i32 to vector<16xi32>
    %and3A_173 = arith.andi %iota3A, %and3A_172 : vector<16xi32>
    %get3A_174 = arith.constant 16 : index
    %get3A_175 = tpu.vector_load %arg9[%get3A_174] {strides = array<i32>} : memref<32xi32, #tpu.memory_space<vmem>>, vector<16xi32>,
    %get3A_176 = vector.shape_cast %get3A_175 : vector<16xi32> to vector<16xi32>
    %add3A_177 = arith.constant 0 : i32
    %add3A_178 = vector.broadcast %add3A_177 : i32 to vector<16xi32>
    %add3A_179 = arith.addi %add3A_178, %and3A_173 : vector<16xi32>
    %broadcast_in_dim3A_180 = vector.shape_cast %add3A_179 : vector<16xi32> to vector<16x1xi32>
    %gather3A_181 = vector.shape_cast %broadcast_in_dim3A_180 : vector<16x1xi32> to vector<16xi32>
    %gather3A_182 = tpu.dynamic_gather %get3A_176[%gather3A_181] in [0] : vector<16xi32>, vector<16xi32> -> vector<16xi32>
    %add3A_183 = arith.constant 16 : i32
    %add3A_184 = arith.addi %mul3A_2, %add3A_183 : i32
    %add3A_185 = vector.broadcast %add3A_184 : i32 to vector<16xi32>
    %add3A_186 = arith.addi %add3A_185, %and3A_173 : vector<16xi32>
    %mul3A_187 = arith.constant 1024 : i32
    %mul3A_188 = vector.broadcast %mul3A_187 : i32 to vector<16xi32>
    %mul3A_189 = arith.muli %gather3A_182, %mul3A_188 : vector<16xi32>
    %add3A_190 = arith.addi %mul3A_189, %add3A_186 : vector<16xi32>
    %mul3A_191 = arith.constant 8 : i32
    %mul3A_192 = vector.broadcast %mul3A_191 : i32 to vector<16xi32>
    %mul3A_193 = arith.muli %add3A_190, %mul3A_192 : vector<16xi32>
    %mul3A_194 = arith.constant 2 : i32
    %mul3A_195 = vector.broadcast %mul3A_194 : i32 to vector<16xi32>
    %mul3A_196 = arith.muli %add3A_170, %mul3A_195 : vector<16xi32>
    %add3A_197 = arith.addi %mul3A_193, %mul3A_196 : vector<16xi32>
    %add3A_198 = arith.constant 0 : i32
    %add3A_199 = vector.broadcast %add3A_198 : i32 to vector<16xi32>
    %add3A_200 = arith.addi %add3A_197, %add3A_199 : vector<16xi32>
    %swap3A_201 = arith.constant 0 : i32
    %swap3A_202 = arith.index_cast %swap3A_201 : i32 to index
    %swap3A_203 = arith.constant 64 : index
    %swap3A_204 = tpu.vector_load %arg10[%swap3A_202, %swap3A_203] {strides = array<i32>} : memref<2x128xi32, #tpu.memory_space<vmem>>, vector<1x16xi32>,
    %swap3A_205 = vector.shape_cast %swap3A_204 : vector<1x16xi32> to vector<16xi32>
    %swap3A_206 = vector.shape_cast %add3A_200 : vector<16xi32> to vector<1x16xi32>
    tpu.vector_store %arg10[%swap3A_202, %swap3A_203], %swap3A_206 {strides = array<i32>} : memref<2x128xi32, #tpu.memory_space<vmem>>, vector<1x16xi32>,
    %shift_right_logical3A_207 = arith.constant 3 : i32
    %shift_right_logical3A_208 = vector.broadcast %shift_right_logical3A_207 : i32 to vector<16xi32>
    %shift_right_logical3A_209 = arith.shrui %iota3A, %shift_right_logical3A_208 : vector<16xi32>
    %add3A_210 = arith.constant 2 : i32
    %add3A_211 = vector.broadcast %add3A_210 : i32 to vector<16xi32>
    %add3A_212 = arith.addi %add3A_211, %shift_right_logical3A_209 : vector<16xi32>
    %and3A_213 = arith.constant 7 : i32
    %and3A_214 = vector.broadcast %and3A_213 : i32 to vector<16xi32>
    %and3A_215 = arith.andi %iota3A, %and3A_214 : vector<16xi32>
    %get3A_216 = arith.constant 16 : index
    %get3A_217 = tpu.vector_load %arg9[%get3A_216] {strides = array<i32>} : memref<32xi32, #tpu.memory_space<vmem>>, vector<16xi32>,
    %get3A_218 = vector.shape_cast %get3A_217 : vector<16xi32> to vector<16xi32>
    %add3A_219 = arith.constant 0 : i32
    %add3A_220 = vector.broadcast %add3A_219 : i32 to vector<16xi32>
    %add3A_221 = arith.addi %add3A_220, %and3A_215 : vector<16xi32>
    %broadcast_in_dim3A_222 = vector.shape_cast %add3A_221 : vector<16xi32> to vector<16x1xi32>
    %gather3A_223 = vector.shape_cast %broadcast_in_dim3A_222 : vector<16x1xi32> to vector<16xi32>
    %gather3A_224 = tpu.dynamic_gather %get3A_218[%gather3A_223] in [0] : vector<16xi32>, vector<16xi32> -> vector<16xi32>
    %add3A_225 = arith.constant 16 : i32
    %add3A_226 = arith.addi %mul3A_2, %add3A_225 : i32
    %add3A_227 = vector.broadcast %add3A_226 : i32 to vector<16xi32>
    %add3A_228 = arith.addi %add3A_227, %and3A_215 : vector<16xi32>
    %mul3A_229 = arith.constant 1024 : i32
    %mul3A_230 = vector.broadcast %mul3A_229 : i32 to vector<16xi32>
    %mul3A_231 = arith.muli %gather3A_224, %mul3A_230 : vector<16xi32>
    %add3A_232 = arith.addi %mul3A_231, %add3A_228 : vector<16xi32>
    %mul3A_233 = arith.constant 8 : i32
    %mul3A_234 = vector.broadcast %mul3A_233 : i32 to vector<16xi32>
    %mul3A_235 = arith.muli %add3A_232, %mul3A_234 : vector<16xi32>
    %mul3A_236 = arith.constant 2 : i32
    %mul3A_237 = vector.broadcast %mul3A_236 : i32 to vector<16xi32>
    %mul3A_238 = arith.muli %add3A_212, %mul3A_237 : vector<16xi32>
    %add3A_239 = arith.addi %mul3A_235, %mul3A_238 : vector<16xi32>
    %add3A_240 = arith.constant 0 : i32
    %add3A_241 = vector.broadcast %add3A_240 : i32 to vector<16xi32>
    %add3A_242 = arith.addi %add3A_239, %add3A_241 : vector<16xi32>
    %swap3A_243 = arith.constant 0 : i32
    %swap3A_244 = arith.index_cast %swap3A_243 : i32 to index
    %swap3A_245 = arith.constant 80 : index
    %swap3A_246 = tpu.vector_load %arg10[%swap3A_244, %swap3A_245] {strides = array<i32>} : memref<2x128xi32, #tpu.memory_space<vmem>>, vector<1x16xi32>,
    %swap3A_247 = vector.shape_cast %swap3A_246 : vector<1x16xi32> to vector<16xi32>
    %swap3A_248 = vector.shape_cast %add3A_242 : vector<16xi32> to vector<1x16xi32>
    tpu.vector_store %arg10[%swap3A_244, %swap3A_245], %swap3A_248 {strides = array<i32>} : memref<2x128xi32, #tpu.memory_space<vmem>>, vector<1x16xi32>,
    %shift_right_logical3A_249 = arith.constant 3 : i32
    %shift_right_logical3A_250 = vector.broadcast %shift_right_logical3A_249 : i32 to vector<16xi32>
    %shift_right_logical3A_251 = arith.shrui %iota3A, %shift_right_logical3A_250 : vector<16xi32>
    %add3A_252 = arith.constant 0 : i32
    %add3A_253 = vector.broadcast %add3A_252 : i32 to vector<16xi32>
    %add3A_254 = arith.addi %add3A_253, %shift_right_logical3A_251 : vector<16xi32>
    %and3A_255 = arith.constant 7 : i32
    %and3A_256 = vector.broadcast %and3A_255 : i32 to vector<16xi32>
    %and3A_257 = arith.andi %iota3A, %and3A_256 : vector<16xi32>
    %get3A_258 = arith.constant 16 : index
    %get3A_259 = tpu.vector_load %arg9[%get3A_258] {strides = array<i32>} : memref<32xi32, #tpu.memory_space<vmem>>, vector<16xi32>,
    %get3A_260 = vector.shape_cast %get3A_259 : vector<16xi32> to vector<16xi32>
    %add3A_261 = arith.constant 8 : i32
    %add3A_262 = vector.broadcast %add3A_261 : i32 to vector<16xi32>
    %add3A_263 = arith.addi %add3A_262, %and3A_257 : vector<16xi32>
    %broadcast_in_dim3A_264 = vector.shape_cast %add3A_263 : vector<16xi32> to vector<16x1xi32>
    %gather3A_265 = vector.shape_cast %broadcast_in_dim3A_264 : vector<16x1xi32> to vector<16xi32>
    %gather3A_266 = tpu.dynamic_gather %get3A_260[%gather3A_265] in [0] : vector<16xi32>, vector<16xi32> -> vector<16xi32>
    %add3A_267 = arith.constant 24 : i32
    %add3A_268 = arith.addi %mul3A_2, %add3A_267 : i32
    %add3A_269 = vector.broadcast %add3A_268 : i32 to vector<16xi32>
    %add3A_270 = arith.addi %add3A_269, %and3A_257 : vector<16xi32>
    %mul3A_271 = arith.constant 1024 : i32
    %mul3A_272 = vector.broadcast %mul3A_271 : i32 to vector<16xi32>
    %mul3A_273 = arith.muli %gather3A_266, %mul3A_272 : vector<16xi32>
    %add3A_274 = arith.addi %mul3A_273, %add3A_270 : vector<16xi32>
    %mul3A_275 = arith.constant 8 : i32
    %mul3A_276 = vector.broadcast %mul3A_275 : i32 to vector<16xi32>
    %mul3A_277 = arith.muli %add3A_274, %mul3A_276 : vector<16xi32>
    %mul3A_278 = arith.constant 2 : i32
    %mul3A_279 = vector.broadcast %mul3A_278 : i32 to vector<16xi32>
    %mul3A_280 = arith.muli %add3A_254, %mul3A_279 : vector<16xi32>
    %add3A_281 = arith.addi %mul3A_277, %mul3A_280 : vector<16xi32>
    %add3A_282 = arith.constant 0 : i32
    %add3A_283 = vector.broadcast %add3A_282 : i32 to vector<16xi32>
    %add3A_284 = arith.addi %add3A_281, %add3A_283 : vector<16xi32>
    %swap3A_285 = arith.constant 0 : i32
    %swap3A_286 = arith.index_cast %swap3A_285 : i32 to index
    %swap3A_287 = arith.constant 96 : index
    %swap3A_288 = tpu.vector_load %arg10[%swap3A_286, %swap3A_287] {strides = array<i32>} : memref<2x128xi32, #tpu.memory_space<vmem>>, vector<1x16xi32>,
    %swap3A_289 = vector.shape_cast %swap3A_288 : vector<1x16xi32> to vector<16xi32>
    %swap3A_290 = vector.shape_cast %add3A_284 : vector<16xi32> to vector<1x16xi32>
    tpu.vector_store %arg10[%swap3A_286, %swap3A_287], %swap3A_290 {strides = array<i32>} : memref<2x128xi32, #tpu.memory_space<vmem>>, vector<1x16xi32>,
    %shift_right_logical3A_291 = arith.constant 3 : i32
    %shift_right_logical3A_292 = vector.broadcast %shift_right_logical3A_291 : i32 to vector<16xi32>
    %shift_right_logical3A_293 = arith.shrui %iota3A, %shift_right_logical3A_292 : vector<16xi32>
    %add3A_294 = arith.constant 2 : i32
    %add3A_295 = vector.broadcast %add3A_294 : i32 to vector<16xi32>
    %add3A_296 = arith.addi %add3A_295, %shift_right_logical3A_293 : vector<16xi32>
    %and3A_297 = arith.constant 7 : i32
    %and3A_298 = vector.broadcast %and3A_297 : i32 to vector<16xi32>
    %and3A_299 = arith.andi %iota3A, %and3A_298 : vector<16xi32>
    %get3A_300 = arith.constant 16 : index
    %get3A_301 = tpu.vector_load %arg9[%get3A_300] {strides = array<i32>} : memref<32xi32, #tpu.memory_space<vmem>>, vector<16xi32>,
    %get3A_302 = vector.shape_cast %get3A_301 : vector<16xi32> to vector<16xi32>
    %add3A_303 = arith.constant 8 : i32
    %add3A_304 = vector.broadcast %add3A_303 : i32 to vector<16xi32>
    %add3A_305 = arith.addi %add3A_304, %and3A_299 : vector<16xi32>
    %broadcast_in_dim3A_306 = vector.shape_cast %add3A_305 : vector<16xi32> to vector<16x1xi32>
    %gather3A_307 = vector.shape_cast %broadcast_in_dim3A_306 : vector<16x1xi32> to vector<16xi32>
    %gather3A_308 = tpu.dynamic_gather %get3A_302[%gather3A_307] in [0] : vector<16xi32>, vector<16xi32> -> vector<16xi32>
    %add3A_309 = arith.constant 24 : i32
    %add3A_310 = arith.addi %mul3A_2, %add3A_309 : i32
    %add3A_311 = vector.broadcast %add3A_310 : i32 to vector<16xi32>
    %add3A_312 = arith.addi %add3A_311, %and3A_299 : vector<16xi32>
    %mul3A_313 = arith.constant 1024 : i32
    %mul3A_314 = vector.broadcast %mul3A_313 : i32 to vector<16xi32>
    %mul3A_315 = arith.muli %gather3A_308, %mul3A_314 : vector<16xi32>
    %add3A_316 = arith.addi %mul3A_315, %add3A_312 : vector<16xi32>
    %mul3A_317 = arith.constant 8 : i32
    %mul3A_318 = vector.broadcast %mul3A_317 : i32 to vector<16xi32>
    %mul3A_319 = arith.muli %add3A_316, %mul3A_318 : vector<16xi32>
    %mul3A_320 = arith.constant 2 : i32
    %mul3A_321 = vector.broadcast %mul3A_320 : i32 to vector<16xi32>
    %mul3A_322 = arith.muli %add3A_296, %mul3A_321 : vector<16xi32>
    %add3A_323 = arith.addi %mul3A_319, %mul3A_322 : vector<16xi32>
    %add3A_324 = arith.constant 0 : i32
    %add3A_325 = vector.broadcast %add3A_324 : i32 to vector<16xi32>
    %add3A_326 = arith.addi %add3A_323, %add3A_325 : vector<16xi32>
    %swap3A_327 = arith.constant 0 : i32
    %swap3A_328 = arith.index_cast %swap3A_327 : i32 to index
    %swap3A_329 = arith.constant 112 : index
    %swap3A_330 = tpu.vector_load %arg10[%swap3A_328, %swap3A_329] {strides = array<i32>} : memref<2x128xi32, #tpu.memory_space<vmem>>, vector<1x16xi32>,
    %swap3A_331 = vector.shape_cast %swap3A_330 : vector<1x16xi32> to vector<16xi32>
    %swap3A_332 = vector.shape_cast %add3A_326 : vector<16xi32> to vector<1x16xi32>
    tpu.vector_store %arg10[%swap3A_328, %swap3A_329], %swap3A_332 {strides = array<i32>} : memref<2x128xi32, #tpu.memory_space<vmem>>, vector<1x16xi32>,
    %shift_right_logical3A_333 = arith.constant 3 : i32
    %shift_right_logical3A_334 = vector.broadcast %shift_right_logical3A_333 : i32 to vector<16xi32>
    %shift_right_logical3A_335 = arith.shrui %iota3A, %shift_right_logical3A_334 : vector<16xi32>
    %add3A_336 = arith.constant 0 : i32
    %add3A_337 = vector.broadcast %add3A_336 : i32 to vector<16xi32>
    %add3A_338 = arith.addi %add3A_337, %shift_right_logical3A_335 : vector<16xi32>
    %and3A_339 = arith.constant 7 : i32
    %and3A_340 = vector.broadcast %and3A_339 : i32 to vector<16xi32>
    %and3A_341 = arith.andi %iota3A, %and3A_340 : vector<16xi32>
    %get3A_342 = arith.constant 0 : index
    %get3A_343 = tpu.vector_load %arg9[%get3A_342] {strides = array<i32>} : memref<32xi32, #tpu.memory_space<vmem>>, vector<16xi32>,
    %get3A_344 = vector.shape_cast %get3A_343 : vector<16xi32> to vector<16xi32>
    %add3A_345 = arith.constant 0 : i32
    %add3A_346 = vector.broadcast %add3A_345 : i32 to vector<16xi32>
    %add3A_347 = arith.addi %add3A_346, %and3A_341 : vector<16xi32>
    %broadcast_in_dim3A_348 = vector.shape_cast %add3A_347 : vector<16xi32> to vector<16x1xi32>
    %gather3A_349 = vector.shape_cast %broadcast_in_dim3A_348 : vector<16x1xi32> to vector<16xi32>
    %gather3A_350 = tpu.dynamic_gather %get3A_344[%gather3A_349] in [0] : vector<16xi32>, vector<16xi32> -> vector<16xi32>
    %add3A_351 = arith.constant 0 : i32
    %add3A_352 = arith.addi %mul3A_2, %add3A_351 : i32
    %add3A_353 = vector.broadcast %add3A_352 : i32 to vector<16xi32>
    %add3A_354 = arith.addi %add3A_353, %and3A_341 : vector<16xi32>
    %mul3A_355 = arith.constant 1024 : i32
    %mul3A_356 = vector.broadcast %mul3A_355 : i32 to vector<16xi32>
    %mul3A_357 = arith.muli %gather3A_350, %mul3A_356 : vector<16xi32>
    %add3A_358 = arith.addi %mul3A_357, %add3A_354 : vector<16xi32>
    %mul3A_359 = arith.constant 8 : i32
    %mul3A_360 = vector.broadcast %mul3A_359 : i32 to vector<16xi32>
    %mul3A_361 = arith.muli %add3A_358, %mul3A_360 : vector<16xi32>
    %mul3A_362 = arith.constant 2 : i32
    %mul3A_363 = vector.broadcast %mul3A_362 : i32 to vector<16xi32>
    %mul3A_364 = arith.muli %add3A_338, %mul3A_363 : vector<16xi32>
    %add3A_365 = arith.addi %mul3A_361, %mul3A_364 : vector<16xi32>
    %add3A_366 = arith.constant 1 : i32
    %add3A_367 = vector.broadcast %add3A_366 : i32 to vector<16xi32>
    %add3A_368 = arith.addi %add3A_365, %add3A_367 : vector<16xi32>
    %swap3A_369 = arith.constant 1 : i32
    %swap3A_370 = arith.index_cast %swap3A_369 : i32 to index
    %swap3A_371 = arith.constant 0 : index
    %swap3A_372 = tpu.vector_load %arg10[%swap3A_370, %swap3A_371] {strides = array<i32>} : memref<2x128xi32, #tpu.memory_space<vmem>>, vector<1x16xi32>,
    %swap3A_373 = vector.shape_cast %swap3A_372 : vector<1x16xi32> to vector<16xi32>
    %swap3A_374 = vector.shape_cast %add3A_368 : vector<16xi32> to vector<1x16xi32>
    tpu.vector_store %arg10[%swap3A_370, %swap3A_371], %swap3A_374 {strides = array<i32>} : memref<2x128xi32, #tpu.memory_space<vmem>>, vector<1x16xi32>,
    %shift_right_logical3A_375 = arith.constant 3 : i32
    %shift_right_logical3A_376 = vector.broadcast %shift_right_logical3A_375 : i32 to vector<16xi32>
    %shift_right_logical3A_377 = arith.shrui %iota3A, %shift_right_logical3A_376 : vector<16xi32>
    %add3A_378 = arith.constant 2 : i32
    %add3A_379 = vector.broadcast %add3A_378 : i32 to vector<16xi32>
    %add3A_380 = arith.addi %add3A_379, %shift_right_logical3A_377 : vector<16xi32>
    %and3A_381 = arith.constant 7 : i32
    %and3A_382 = vector.broadcast %and3A_381 : i32 to vector<16xi32>
    %and3A_383 = arith.andi %iota3A, %and3A_382 : vector<16xi32>
    %get3A_384 = arith.constant 0 : index
    %get3A_385 = tpu.vector_load %arg9[%get3A_384] {strides = array<i32>} : memref<32xi32, #tpu.memory_space<vmem>>, vector<16xi32>,
    %get3A_386 = vector.shape_cast %get3A_385 : vector<16xi32> to vector<16xi32>
    %add3A_387 = arith.constant 0 : i32
    %add3A_388 = vector.broadcast %add3A_387 : i32 to vector<16xi32>
    %add3A_389 = arith.addi %add3A_388, %and3A_383 : vector<16xi32>
    %broadcast_in_dim3A_390 = vector.shape_cast %add3A_389 : vector<16xi32> to vector<16x1xi32>
    %gather3A_391 = vector.shape_cast %broadcast_in_dim3A_390 : vector<16x1xi32> to vector<16xi32>
    %gather3A_392 = tpu.dynamic_gather %get3A_386[%gather3A_391] in [0] : vector<16xi32>, vector<16xi32> -> vector<16xi32>
    %add3A_393 = arith.constant 0 : i32
    %add3A_394 = arith.addi %mul3A_2, %add3A_393 : i32
    %add3A_395 = vector.broadcast %add3A_394 : i32 to vector<16xi32>
    %add3A_396 = arith.addi %add3A_395, %and3A_383 : vector<16xi32>
    %mul3A_397 = arith.constant 1024 : i32
    %mul3A_398 = vector.broadcast %mul3A_397 : i32 to vector<16xi32>
    %mul3A_399 = arith.muli %gather3A_392, %mul3A_398 : vector<16xi32>
    %add3A_400 = arith.addi %mul3A_399, %add3A_396 : vector<16xi32>
    %mul3A_401 = arith.constant 8 : i32
    %mul3A_402 = vector.broadcast %mul3A_401 : i32 to vector<16xi32>
    %mul3A_403 = arith.muli %add3A_400, %mul3A_402 : vector<16xi32>
    %mul3A_404 = arith.constant 2 : i32
    %mul3A_405 = vector.broadcast %mul3A_404 : i32 to vector<16xi32>
    %mul3A_406 = arith.muli %add3A_380, %mul3A_405 : vector<16xi32>
    %add3A_407 = arith.addi %mul3A_403, %mul3A_406 : vector<16xi32>
    %add3A_408 = arith.constant 1 : i32
    %add3A_409 = vector.broadcast %add3A_408 : i32 to vector<16xi32>
    %add3A_410 = arith.addi %add3A_407, %add3A_409 : vector<16xi32>
    %swap3A_411 = arith.constant 1 : i32
    %swap3A_412 = arith.index_cast %swap3A_411 : i32 to index
    %swap3A_413 = arith.constant 16 : index
    %swap3A_414 = tpu.vector_load %arg10[%swap3A_412, %swap3A_413] {strides = array<i32>} : memref<2x128xi32, #tpu.memory_space<vmem>>, vector<1x16xi32>,
    %swap3A_415 = vector.shape_cast %swap3A_414 : vector<1x16xi32> to vector<16xi32>
    %swap3A_416 = vector.shape_cast %add3A_410 : vector<16xi32> to vector<1x16xi32>
    tpu.vector_store %arg10[%swap3A_412, %swap3A_413], %swap3A_416 {strides = array<i32>} : memref<2x128xi32, #tpu.memory_space<vmem>>, vector<1x16xi32>,
    %shift_right_logical3A_417 = arith.constant 3 : i32
    %shift_right_logical3A_418 = vector.broadcast %shift_right_logical3A_417 : i32 to vector<16xi32>
    %shift_right_logical3A_419 = arith.shrui %iota3A, %shift_right_logical3A_418 : vector<16xi32>
    %add3A_420 = arith.constant 0 : i32
    %add3A_421 = vector.broadcast %add3A_420 : i32 to vector<16xi32>
    %add3A_422 = arith.addi %add3A_421, %shift_right_logical3A_419 : vector<16xi32>
    %and3A_423 = arith.constant 7 : i32
    %and3A_424 = vector.broadcast %and3A_423 : i32 to vector<16xi32>
    %and3A_425 = arith.andi %iota3A, %and3A_424 : vector<16xi32>
    %get3A_426 = arith.constant 0 : index
    %get3A_427 = tpu.vector_load %arg9[%get3A_426] {strides = array<i32>} : memref<32xi32, #tpu.memory_space<vmem>>, vector<16xi32>,
    %get3A_428 = vector.shape_cast %get3A_427 : vector<16xi32> to vector<16xi32>
    %add3A_429 = arith.constant 8 : i32
    %add3A_430 = vector.broadcast %add3A_429 : i32 to vector<16xi32>
    %add3A_431 = arith.addi %add3A_430, %and3A_425 : vector<16xi32>
    %broadcast_in_dim3A_432 = vector.shape_cast %add3A_431 : vector<16xi32> to vector<16x1xi32>
    %gather3A_433 = vector.shape_cast %broadcast_in_dim3A_432 : vector<16x1xi32> to vector<16xi32>
    %gather3A_434 = tpu.dynamic_gather %get3A_428[%gather3A_433] in [0] : vector<16xi32>, vector<16xi32> -> vector<16xi32>
    %add3A_435 = arith.constant 8 : i32
    %add3A_436 = arith.addi %mul3A_2, %add3A_435 : i32
    %add3A_437 = vector.broadcast %add3A_436 : i32 to vector<16xi32>
    %add3A_438 = arith.addi %add3A_437, %and3A_425 : vector<16xi32>
    %mul3A_439 = arith.constant 1024 : i32
    %mul3A_440 = vector.broadcast %mul3A_439 : i32 to vector<16xi32>
    %mul3A_441 = arith.muli %gather3A_434, %mul3A_440 : vector<16xi32>
    %add3A_442 = arith.addi %mul3A_441, %add3A_438 : vector<16xi32>
    %mul3A_443 = arith.constant 8 : i32
    %mul3A_444 = vector.broadcast %mul3A_443 : i32 to vector<16xi32>
    %mul3A_445 = arith.muli %add3A_442, %mul3A_444 : vector<16xi32>
    %mul3A_446 = arith.constant 2 : i32
    %mul3A_447 = vector.broadcast %mul3A_446 : i32 to vector<16xi32>
    %mul3A_448 = arith.muli %add3A_422, %mul3A_447 : vector<16xi32>
    %add3A_449 = arith.addi %mul3A_445, %mul3A_448 : vector<16xi32>
    %add3A_450 = arith.constant 1 : i32
    %add3A_451 = vector.broadcast %add3A_450 : i32 to vector<16xi32>
    %add3A_452 = arith.addi %add3A_449, %add3A_451 : vector<16xi32>
    %swap3A_453 = arith.constant 1 : i32
    %swap3A_454 = arith.index_cast %swap3A_453 : i32 to index
    %swap3A_455 = arith.constant 32 : index
    %swap3A_456 = tpu.vector_load %arg10[%swap3A_454, %swap3A_455] {strides = array<i32>} : memref<2x128xi32, #tpu.memory_space<vmem>>, vector<1x16xi32>,
    %swap3A_457 = vector.shape_cast %swap3A_456 : vector<1x16xi32> to vector<16xi32>
    %swap3A_458 = vector.shape_cast %add3A_452 : vector<16xi32> to vector<1x16xi32>
    tpu.vector_store %arg10[%swap3A_454, %swap3A_455], %swap3A_458 {strides = array<i32>} : memref<2x128xi32, #tpu.memory_space<vmem>>, vector<1x16xi32>,
    %shift_right_logical3A_459 = arith.constant 3 : i32
    %shift_right_logical3A_460 = vector.broadcast %shift_right_logical3A_459 : i32 to vector<16xi32>
    %shift_right_logical3A_461 = arith.shrui %iota3A, %shift_right_logical3A_460 : vector<16xi32>
    %add3A_462 = arith.constant 2 : i32
    %add3A_463 = vector.broadcast %add3A_462 : i32 to vector<16xi32>
    %add3A_464 = arith.addi %add3A_463, %shift_right_logical3A_461 : vector<16xi32>
    %and3A_465 = arith.constant 7 : i32
    %and3A_466 = vector.broadcast %and3A_465 : i32 to vector<16xi32>
    %and3A_467 = arith.andi %iota3A, %and3A_466 : vector<16xi32>
    %get3A_468 = arith.constant 0 : index
    %get3A_469 = tpu.vector_load %arg9[%get3A_468] {strides = array<i32>} : memref<32xi32, #tpu.memory_space<vmem>>, vector<16xi32>,
    %get3A_470 = vector.shape_cast %get3A_469 : vector<16xi32> to vector<16xi32>
    %add3A_471 = arith.constant 8 : i32
    %add3A_472 = vector.broadcast %add3A_471 : i32 to vector<16xi32>
    %add3A_473 = arith.addi %add3A_472, %and3A_467 : vector<16xi32>
    %broadcast_in_dim3A_474 = vector.shape_cast %add3A_473 : vector<16xi32> to vector<16x1xi32>
    %gather3A_475 = vector.shape_cast %broadcast_in_dim3A_474 : vector<16x1xi32> to vector<16xi32>
    %gather3A_476 = tpu.dynamic_gather %get3A_470[%gather3A_475] in [0] : vector<16xi32>, vector<16xi32> -> vector<16xi32>
    %add3A_477 = arith.constant 8 : i32
    %add3A_478 = arith.addi %mul3A_2, %add3A_477 : i32
    %add3A_479 = vector.broadcast %add3A_478 : i32 to vector<16xi32>
    %add3A_480 = arith.addi %add3A_479, %and3A_467 : vector<16xi32>
    %mul3A_481 = arith.constant 1024 : i32
    %mul3A_482 = vector.broadcast %mul3A_481 : i32 to vector<16xi32>
    %mul3A_483 = arith.muli %gather3A_476, %mul3A_482 : vector<16xi32>
    %add3A_484 = arith.addi %mul3A_483, %add3A_480 : vector<16xi32>
    %mul3A_485 = arith.constant 8 : i32
    %mul3A_486 = vector.broadcast %mul3A_485 : i32 to vector<16xi32>
    %mul3A_487 = arith.muli %add3A_484, %mul3A_486 : vector<16xi32>
    %mul3A_488 = arith.constant 2 : i32
    %mul3A_489 = vector.broadcast %mul3A_488 : i32 to vector<16xi32>
    %mul3A_490 = arith.muli %add3A_464, %mul3A_489 : vector<16xi32>
    %add3A_491 = arith.addi %mul3A_487, %mul3A_490 : vector<16xi32>
    %add3A_492 = arith.constant 1 : i32
    %add3A_493 = vector.broadcast %add3A_492 : i32 to vector<16xi32>
    %add3A_494 = arith.addi %add3A_491, %add3A_493 : vector<16xi32>
    %swap3A_495 = arith.constant 1 : i32
    %swap3A_496 = arith.index_cast %swap3A_495 : i32 to index
    %swap3A_497 = arith.constant 48 : index
    %swap3A_498 = tpu.vector_load %arg10[%swap3A_496, %swap3A_497] {strides = array<i32>} : memref<2x128xi32, #tpu.memory_space<vmem>>, vector<1x16xi32>,
    %swap3A_499 = vector.shape_cast %swap3A_498 : vector<1x16xi32> to vector<16xi32>
    %swap3A_500 = vector.shape_cast %add3A_494 : vector<16xi32> to vector<1x16xi32>
    tpu.vector_store %arg10[%swap3A_496, %swap3A_497], %swap3A_500 {strides = array<i32>} : memref<2x128xi32, #tpu.memory_space<vmem>>, vector<1x16xi32>,
    %shift_right_logical3A_501 = arith.constant 3 : i32
    %shift_right_logical3A_502 = vector.broadcast %shift_right_logical3A_501 : i32 to vector<16xi32>
    %shift_right_logical3A_503 = arith.shrui %iota3A, %shift_right_logical3A_502 : vector<16xi32>
    %add3A_504 = arith.constant 0 : i32
    %add3A_505 = vector.broadcast %add3A_504 : i32 to vector<16xi32>
    %add3A_506 = arith.addi %add3A_505, %shift_right_logical3A_503 : vector<16xi32>
    %and3A_507 = arith.constant 7 : i32
    %and3A_508 = vector.broadcast %and3A_507 : i32 to vector<16xi32>
    %and3A_509 = arith.andi %iota3A, %and3A_508 : vector<16xi32>
    %get3A_510 = arith.constant 16 : index
    %get3A_511 = tpu.vector_load %arg9[%get3A_510] {strides = array<i32>} : memref<32xi32, #tpu.memory_space<vmem>>, vector<16xi32>,
    %get3A_512 = vector.shape_cast %get3A_511 : vector<16xi32> to vector<16xi32>
    %add3A_513 = arith.constant 0 : i32
    %add3A_514 = vector.broadcast %add3A_513 : i32 to vector<16xi32>
    %add3A_515 = arith.addi %add3A_514, %and3A_509 : vector<16xi32>
    %broadcast_in_dim3A_516 = vector.shape_cast %add3A_515 : vector<16xi32> to vector<16x1xi32>
    %gather3A_517 = vector.shape_cast %broadcast_in_dim3A_516 : vector<16x1xi32> to vector<16xi32>
    %gather3A_518 = tpu.dynamic_gather %get3A_512[%gather3A_517] in [0] : vector<16xi32>, vector<16xi32> -> vector<16xi32>
    %add3A_519 = arith.constant 16 : i32
    %add3A_520 = arith.addi %mul3A_2, %add3A_519 : i32
    %add3A_521 = vector.broadcast %add3A_520 : i32 to vector<16xi32>
    %add3A_522 = arith.addi %add3A_521, %and3A_509 : vector<16xi32>
    %mul3A_523 = arith.constant 1024 : i32
    %mul3A_524 = vector.broadcast %mul3A_523 : i32 to vector<16xi32>
    %mul3A_525 = arith.muli %gather3A_518, %mul3A_524 : vector<16xi32>
    %add3A_526 = arith.addi %mul3A_525, %add3A_522 : vector<16xi32>
    %mul3A_527 = arith.constant 8 : i32
    %mul3A_528 = vector.broadcast %mul3A_527 : i32 to vector<16xi32>
    %mul3A_529 = arith.muli %add3A_526, %mul3A_528 : vector<16xi32>
    %mul3A_530 = arith.constant 2 : i32
    %mul3A_531 = vector.broadcast %mul3A_530 : i32 to vector<16xi32>
    %mul3A_532 = arith.muli %add3A_506, %mul3A_531 : vector<16xi32>
    %add3A_533 = arith.addi %mul3A_529, %mul3A_532 : vector<16xi32>
    %add3A_534 = arith.constant 1 : i32
    %add3A_535 = vector.broadcast %add3A_534 : i32 to vector<16xi32>
    %add3A_536 = arith.addi %add3A_533, %add3A_535 : vector<16xi32>
    %swap3A_537 = arith.constant 1 : i32
    %swap3A_538 = arith.index_cast %swap3A_537 : i32 to index
    %swap3A_539 = arith.constant 64 : index
    %swap3A_540 = tpu.vector_load %arg10[%swap3A_538, %swap3A_539] {strides = array<i32>} : memref<2x128xi32, #tpu.memory_space<vmem>>, vector<1x16xi32>,
    %swap3A_541 = vector.shape_cast %swap3A_540 : vector<1x16xi32> to vector<16xi32>
    %swap3A_542 = vector.shape_cast %add3A_536 : vector<16xi32> to vector<1x16xi32>
    tpu.vector_store %arg10[%swap3A_538, %swap3A_539], %swap3A_542 {strides = array<i32>} : memref<2x128xi32, #tpu.memory_space<vmem>>, vector<1x16xi32>,
    %shift_right_logical3A_543 = arith.constant 3 : i32
    %shift_right_logical3A_544 = vector.broadcast %shift_right_logical3A_543 : i32 to vector<16xi32>
    %shift_right_logical3A_545 = arith.shrui %iota3A, %shift_right_logical3A_544 : vector<16xi32>
    %add3A_546 = arith.constant 2 : i32
    %add3A_547 = vector.broadcast %add3A_546 : i32 to vector<16xi32>
    %add3A_548 = arith.addi %add3A_547, %shift_right_logical3A_545 : vector<16xi32>
    %and3A_549 = arith.constant 7 : i32
    %and3A_550 = vector.broadcast %and3A_549 : i32 to vector<16xi32>
    %and3A_551 = arith.andi %iota3A, %and3A_550 : vector<16xi32>
    %get3A_552 = arith.constant 16 : index
    %get3A_553 = tpu.vector_load %arg9[%get3A_552] {strides = array<i32>} : memref<32xi32, #tpu.memory_space<vmem>>, vector<16xi32>,
    %get3A_554 = vector.shape_cast %get3A_553 : vector<16xi32> to vector<16xi32>
    %add3A_555 = arith.constant 0 : i32
    %add3A_556 = vector.broadcast %add3A_555 : i32 to vector<16xi32>
    %add3A_557 = arith.addi %add3A_556, %and3A_551 : vector<16xi32>
    %broadcast_in_dim3A_558 = vector.shape_cast %add3A_557 : vector<16xi32> to vector<16x1xi32>
    %gather3A_559 = vector.shape_cast %broadcast_in_dim3A_558 : vector<16x1xi32> to vector<16xi32>
    %gather3A_560 = tpu.dynamic_gather %get3A_554[%gather3A_559] in [0] : vector<16xi32>, vector<16xi32> -> vector<16xi32>
    %add3A_561 = arith.constant 16 : i32
    %add3A_562 = arith.addi %mul3A_2, %add3A_561 : i32
    %add3A_563 = vector.broadcast %add3A_562 : i32 to vector<16xi32>
    %add3A_564 = arith.addi %add3A_563, %and3A_551 : vector<16xi32>
    %mul3A_565 = arith.constant 1024 : i32
    %mul3A_566 = vector.broadcast %mul3A_565 : i32 to vector<16xi32>
    %mul3A_567 = arith.muli %gather3A_560, %mul3A_566 : vector<16xi32>
    %add3A_568 = arith.addi %mul3A_567, %add3A_564 : vector<16xi32>
    %mul3A_569 = arith.constant 8 : i32
    %mul3A_570 = vector.broadcast %mul3A_569 : i32 to vector<16xi32>
    %mul3A_571 = arith.muli %add3A_568, %mul3A_570 : vector<16xi32>
    %mul3A_572 = arith.constant 2 : i32
    %mul3A_573 = vector.broadcast %mul3A_572 : i32 to vector<16xi32>
    %mul3A_574 = arith.muli %add3A_548, %mul3A_573 : vector<16xi32>
    %add3A_575 = arith.addi %mul3A_571, %mul3A_574 : vector<16xi32>
    %add3A_576 = arith.constant 1 : i32
    %add3A_577 = vector.broadcast %add3A_576 : i32 to vector<16xi32>
    %add3A_578 = arith.addi %add3A_575, %add3A_577 : vector<16xi32>
    %swap3A_579 = arith.constant 1 : i32
    %swap3A_580 = arith.index_cast %swap3A_579 : i32 to index
    %swap3A_581 = arith.constant 80 : index
    %swap3A_582 = tpu.vector_load %arg10[%swap3A_580, %swap3A_581] {strides = array<i32>} : memref<2x128xi32, #tpu.memory_space<vmem>>, vector<1x16xi32>,
    %swap3A_583 = vector.shape_cast %swap3A_582 : vector<1x16xi32> to vector<16xi32>
    %swap3A_584 = vector.shape_cast %add3A_578 : vector<16xi32> to vector<1x16xi32>
    tpu.vector_store %arg10[%swap3A_580, %swap3A_581], %swap3A_584 {strides = array<i32>} : memref<2x128xi32, #tpu.memory_space<vmem>>, vector<1x16xi32>,
    %shift_right_logical3A_585 = arith.constant 3 : i32
    %shift_right_logical3A_586 = vector.broadcast %shift_right_logical3A_585 : i32 to vector<16xi32>
    %shift_right_logical3A_587 = arith.shrui %iota3A, %shift_right_logical3A_586 : vector<16xi32>
    %add3A_588 = arith.constant 0 : i32
    %add3A_589 = vector.broadcast %add3A_588 : i32 to vector<16xi32>
    %add3A_590 = arith.addi %add3A_589, %shift_right_logical3A_587 : vector<16xi32>
    %and3A_591 = arith.constant 7 : i32
    %and3A_592 = vector.broadcast %and3A_591 : i32 to vector<16xi32>
    %and3A_593 = arith.andi %iota3A, %and3A_592 : vector<16xi32>
    %get3A_594 = arith.constant 16 : index
    %get3A_595 = tpu.vector_load %arg9[%get3A_594] {strides = array<i32>} : memref<32xi32, #tpu.memory_space<vmem>>, vector<16xi32>,
    %get3A_596 = vector.shape_cast %get3A_595 : vector<16xi32> to vector<16xi32>
    %add3A_597 = arith.constant 8 : i32
    %add3A_598 = vector.broadcast %add3A_597 : i32 to vector<16xi32>
    %add3A_599 = arith.addi %add3A_598, %and3A_593 : vector<16xi32>
    %broadcast_in_dim3A_600 = vector.shape_cast %add3A_599 : vector<16xi32> to vector<16x1xi32>
    %gather3A_601 = vector.shape_cast %broadcast_in_dim3A_600 : vector<16x1xi32> to vector<16xi32>
    %gather3A_602 = tpu.dynamic_gather %get3A_596[%gather3A_601] in [0] : vector<16xi32>, vector<16xi32> -> vector<16xi32>
    %add3A_603 = arith.constant 24 : i32
    %add3A_604 = arith.addi %mul3A_2, %add3A_603 : i32
    %add3A_605 = vector.broadcast %add3A_604 : i32 to vector<16xi32>
    %add3A_606 = arith.addi %add3A_605, %and3A_593 : vector<16xi32>
    %mul3A_607 = arith.constant 1024 : i32
    %mul3A_608 = vector.broadcast %mul3A_607 : i32 to vector<16xi32>
    %mul3A_609 = arith.muli %gather3A_602, %mul3A_608 : vector<16xi32>
    %add3A_610 = arith.addi %mul3A_609, %add3A_606 : vector<16xi32>
    %mul3A_611 = arith.constant 8 : i32
    %mul3A_612 = vector.broadcast %mul3A_611 : i32 to vector<16xi32>
    %mul3A_613 = arith.muli %add3A_610, %mul3A_612 : vector<16xi32>
    %mul3A_614 = arith.constant 2 : i32
    %mul3A_615 = vector.broadcast %mul3A_614 : i32 to vector<16xi32>
    %mul3A_616 = arith.muli %add3A_590, %mul3A_615 : vector<16xi32>
    %add3A_617 = arith.addi %mul3A_613, %mul3A_616 : vector<16xi32>
    %add3A_618 = arith.constant 1 : i32
    %add3A_619 = vector.broadcast %add3A_618 : i32 to vector<16xi32>
    %add3A_620 = arith.addi %add3A_617, %add3A_619 : vector<16xi32>
    %swap3A_621 = arith.constant 1 : i32
    %swap3A_622 = arith.index_cast %swap3A_621 : i32 to index
    %swap3A_623 = arith.constant 96 : index
    %swap3A_624 = tpu.vector_load %arg10[%swap3A_622, %swap3A_623] {strides = array<i32>} : memref<2x128xi32, #tpu.memory_space<vmem>>, vector<1x16xi32>,
    %swap3A_625 = vector.shape_cast %swap3A_624 : vector<1x16xi32> to vector<16xi32>
    %swap3A_626 = vector.shape_cast %add3A_620 : vector<16xi32> to vector<1x16xi32>
    tpu.vector_store %arg10[%swap3A_622, %swap3A_623], %swap3A_626 {strides = array<i32>} : memref<2x128xi32, #tpu.memory_space<vmem>>, vector<1x16xi32>,
    %shift_right_logical3A_627 = arith.constant 3 : i32
    %shift_right_logical3A_628 = vector.broadcast %shift_right_logical3A_627 : i32 to vector<16xi32>
    %shift_right_logical3A_629 = arith.shrui %iota3A, %shift_right_logical3A_628 : vector<16xi32>
    %add3A_630 = arith.constant 2 : i32
    %add3A_631 = vector.broadcast %add3A_630 : i32 to vector<16xi32>
    %add3A_632 = arith.addi %add3A_631, %shift_right_logical3A_629 : vector<16xi32>
    %and3A_633 = arith.constant 7 : i32
    %and3A_634 = vector.broadcast %and3A_633 : i32 to vector<16xi32>
    %and3A_635 = arith.andi %iota3A, %and3A_634 : vector<16xi32>
    %get3A_636 = arith.constant 16 : index
    %get3A_637 = tpu.vector_load %arg9[%get3A_636] {strides = array<i32>} : memref<32xi32, #tpu.memory_space<vmem>>, vector<16xi32>,
    %get3A_638 = vector.shape_cast %get3A_637 : vector<16xi32> to vector<16xi32>
    %add3A_639 = arith.constant 8 : i32
    %add3A_640 = vector.broadcast %add3A_639 : i32 to vector<16xi32>
    %add3A_641 = arith.addi %add3A_640, %and3A_635 : vector<16xi32>
    %broadcast_in_dim3A_642 = vector.shape_cast %add3A_641 : vector<16xi32> to vector<16x1xi32>
    %gather3A_643 = vector.shape_cast %broadcast_in_dim3A_642 : vector<16x1xi32> to vector<16xi32>
    %gather3A_644 = tpu.dynamic_gather %get3A_638[%gather3A_643] in [0] : vector<16xi32>, vector<16xi32> -> vector<16xi32>
    %add3A_645 = arith.constant 24 : i32
    %add3A_646 = arith.addi %mul3A_2, %add3A_645 : i32
    %add3A_647 = vector.broadcast %add3A_646 : i32 to vector<16xi32>
    %add3A_648 = arith.addi %add3A_647, %and3A_635 : vector<16xi32>
    %mul3A_649 = arith.constant 1024 : i32
    %mul3A_650 = vector.broadcast %mul3A_649 : i32 to vector<16xi32>
    %mul3A_651 = arith.muli %gather3A_644, %mul3A_650 : vector<16xi32>
    %add3A_652 = arith.addi %mul3A_651, %add3A_648 : vector<16xi32>
    %mul3A_653 = arith.constant 8 : i32
    %mul3A_654 = vector.broadcast %mul3A_653 : i32 to vector<16xi32>
    %mul3A_655 = arith.muli %add3A_652, %mul3A_654 : vector<16xi32>
    %mul3A_656 = arith.constant 2 : i32
    %mul3A_657 = vector.broadcast %mul3A_656 : i32 to vector<16xi32>
    %mul3A_658 = arith.muli %add3A_632, %mul3A_657 : vector<16xi32>
    %add3A_659 = arith.addi %mul3A_655, %mul3A_658 : vector<16xi32>
    %add3A_660 = arith.constant 1 : i32
    %add3A_661 = vector.broadcast %add3A_660 : i32 to vector<16xi32>
    %add3A_662 = arith.addi %add3A_659, %add3A_661 : vector<16xi32>
    %swap3A_663 = arith.constant 1 : i32
    %swap3A_664 = arith.index_cast %swap3A_663 : i32 to index
    %swap3A_665 = arith.constant 112 : index
    %swap3A_666 = tpu.vector_load %arg10[%swap3A_664, %swap3A_665] {strides = array<i32>} : memref<2x128xi32, #tpu.memory_space<vmem>>, vector<1x16xi32>,
    %swap3A_667 = vector.shape_cast %swap3A_666 : vector<1x16xi32> to vector<16xi32>
    %swap3A_668 = vector.shape_cast %add3A_662 : vector<16xi32> to vector<1x16xi32>
    tpu.vector_store %arg10[%swap3A_664, %swap3A_665], %swap3A_668 {strides = array<i32>} : memref<2x128xi32, #tpu.memory_space<vmem>>, vector<1x16xi32>,
    %dma_start3A = arith.constant 0 : i32
    %dma_start3A_669 = arith.constant 0 : i32
    %dma_start3A_670 = arith.constant 0 : i32
    %dma_start3A_671 = tpu.memref_slice %arg11[%dma_start3A_669, %dma_start3A_670] : memref<256x128xf32, #tpu.memory_space<vmem>> -> memref<128x128xf32, #tpu.memory_space<vmem>>
    %dma_start3A_672 = arith.constant 0 : i32
    %dma_start3A_673 = tpu.memref_slice %arg10[%dma_start3A, %dma_start3A_672] : memref<2x128xi32, #tpu.memory_space<vmem>> -> memref<1x128xi32, #tpu.memory_space<vmem>>
    %dma_start3A_674 = tpu.memref_squeeze %dma_start3A_673 : memref<1x128xi32, #tpu.memory_space<vmem>> -> memref<128xi32, #tpu.memory_space<vmem>>
    %dma_start3A_675 = arith.constant 0 : i32
    %dma_start3A_676 = arith.constant 0 : i32
    %dma_start3A_677 = tpu.memref_slice %arg2[%dma_start3A_675, %dma_start3A_676] : memref<270336x128xf32, #tpu.memory_space<hbm>> -> memref<270336x128xf32, #tpu.memory_space<hbm>>
    tpu.enqueue_indirect_dma source(%dma_start3A_677 : memref<270336x128xf32, #tpu.memory_space<hbm>>) target(%dma_start3A_671 : memref<128x128xf32, #tpu.memory_space<vmem>>) offsets(%dma_start3A_674 : memref<128xi32, #tpu.memory_space<vmem>>) semaphore(%arg13 : memref<!tpu.dma_semaphore, #tpu.memory_space<semaphore_mem>>)
    %dma_start3A_678 = arith.constant 0 : i32
    %dma_start3A_679 = arith.constant 0 : i32
    %dma_start3A_680 = arith.constant 0 : i32
    %dma_start3A_681 = tpu.memref_slice %arg12[%dma_start3A_679, %dma_start3A_680] : memref<256x128xf32, #tpu.memory_space<vmem>> -> memref<128x128xf32, #tpu.memory_space<vmem>>
    %dma_start3A_682 = arith.constant 0 : i32
    %dma_start3A_683 = tpu.memref_slice %arg10[%dma_start3A_678, %dma_start3A_682] : memref<2x128xi32, #tpu.memory_space<vmem>> -> memref<1x128xi32, #tpu.memory_space<vmem>>
    %dma_start3A_684 = tpu.memref_squeeze %dma_start3A_683 : memref<1x128xi32, #tpu.memory_space<vmem>> -> memref<128xi32, #tpu.memory_space<vmem>>
    %dma_start3A_685 = arith.constant 0 : i32
    %dma_start3A_686 = arith.constant 0 : i32
    %dma_start3A_687 = tpu.memref_slice %arg3[%dma_start3A_685, %dma_start3A_686] : memref<270336x128xf32, #tpu.memory_space<hbm>> -> memref<270336x128xf32, #tpu.memory_space<hbm>>
    tpu.enqueue_indirect_dma source(%dma_start3A_687 : memref<270336x128xf32, #tpu.memory_space<hbm>>) target(%dma_start3A_681 : memref<128x128xf32, #tpu.memory_space<vmem>>) offsets(%dma_start3A_684 : memref<128xi32, #tpu.memory_space<vmem>>) semaphore(%arg14 : memref<!tpu.dma_semaphore, #tpu.memory_space<semaphore_mem>>)
    %dma_start3A_688 = arith.constant 1 : i32
    %dma_start3A_689 = arith.constant 128 : i32
    %dma_start3A_690 = arith.constant 0 : i32
    %dma_start3A_691 = tpu.memref_slice %arg11[%dma_start3A_689, %dma_start3A_690] : memref<256x128xf32, #tpu.memory_space<vmem>> -> memref<128x128xf32, #tpu.memory_space<vmem>>
    %dma_start3A_692 = arith.constant 0 : i32
    %dma_start3A_693 = tpu.memref_slice %arg10[%dma_start3A_688, %dma_start3A_692] : memref<2x128xi32, #tpu.memory_space<vmem>> -> memref<1x128xi32, #tpu.memory_space<vmem>>
    %dma_start3A_694 = tpu.memref_squeeze %dma_start3A_693 : memref<1x128xi32, #tpu.memory_space<vmem>> -> memref<128xi32, #tpu.memory_space<vmem>>
    %dma_start3A_695 = arith.constant 0 : i32
    %dma_start3A_696 = arith.constant 0 : i32
    %dma_start3A_697 = tpu.memref_slice %arg2[%dma_start3A_695, %dma_start3A_696] : memref<270336x128xf32, #tpu.memory_space<hbm>> -> memref<270336x128xf32, #tpu.memory_space<hbm>>
    tpu.enqueue_indirect_dma source(%dma_start3A_697 : memref<270336x128xf32, #tpu.memory_space<hbm>>) target(%dma_start3A_691 : memref<128x128xf32, #tpu.memory_space<vmem>>) offsets(%dma_start3A_694 : memref<128xi32, #tpu.memory_space<vmem>>) semaphore(%arg15 : memref<!tpu.dma_semaphore, #tpu.memory_space<semaphore_mem>>)
    %dma_start3A_698 = arith.constant 1 : i32
    %dma_start3A_699 = arith.constant 128 : i32
    %dma_start3A_700 = arith.constant 0 : i32
    %dma_start3A_701 = tpu.memref_slice %arg12[%dma_start3A_699, %dma_start3A_700] : memref<256x128xf32, #tpu.memory_space<vmem>> -> memref<128x128xf32, #tpu.memory_space<vmem>>
    %dma_start3A_702 = arith.constant 0 : i32
    %dma_start3A_703 = tpu.memref_slice %arg10[%dma_start3A_698, %dma_start3A_702] : memref<2x128xi32, #tpu.memory_space<vmem>> -> memref<1x128xi32, #tpu.memory_space<vmem>>
    %dma_start3A_704 = tpu.memref_squeeze %dma_start3A_703 : memref<1x128xi32, #tpu.memory_space<vmem>> -> memref<128xi32, #tpu.memory_space<vmem>>
    %dma_start3A_705 = arith.constant 0 : i32
    %dma_start3A_706 = arith.constant 0 : i32
    %dma_start3A_707 = tpu.memref_slice %arg3[%dma_start3A_705, %dma_start3A_706] : memref<270336x128xf32, #tpu.memory_space<hbm>> -> memref<270336x128xf32, #tpu.memory_space<hbm>>
    tpu.enqueue_indirect_dma source(%dma_start3A_707 : memref<270336x128xf32, #tpu.memory_space<hbm>>) target(%dma_start3A_701 : memref<128x128xf32, #tpu.memory_space<vmem>>) offsets(%dma_start3A_704 : memref<128xi32, #tpu.memory_space<vmem>>) semaphore(%arg16 : memref<!tpu.dma_semaphore, #tpu.memory_space<semaphore_mem>>)
    %mul3A_708 = arith.constant 128 : i32
    %mul3A_709 = arith.muli %add3A, %mul3A_708 : i32
    %dma_wait3A = arith.constant 0 : i32
    %dma_wait3A_710 = arith.constant 0 : i32
    %dma_wait3A_711 = arith.constant 0 : i32
    %dma_wait3A_712 = tpu.memref_slice %arg11[%dma_wait3A_710, %dma_wait3A_711] : memref<256x128xf32, #tpu.memory_space<vmem>> -> memref<128x128xf32, #tpu.memory_space<vmem>>
    %dma_wait3A_713 = arith.constant 0 : i32
    %dma_wait3A_714 = tpu.memref_slice %arg10[%dma_wait3A, %dma_wait3A_713] : memref<2x128xi32, #tpu.memory_space<vmem>> -> memref<1x128xi32, #tpu.memory_space<vmem>>
    %dma_wait3A_715 = tpu.memref_squeeze %dma_wait3A_714 : memref<1x128xi32, #tpu.memory_space<vmem>> -> memref<128xi32, #tpu.memory_space<vmem>>
    %dma_wait3A_716 = arith.constant 0 : i32
    %dma_wait3A_717 = arith.constant 0 : i32
    %dma_wait3A_718 = tpu.memref_slice %arg2[%dma_wait3A_716, %dma_wait3A_717] : memref<270336x128xf32, #tpu.memory_space<hbm>> -> memref<270336x128xf32, #tpu.memory_space<hbm>>
    tpu.wait_indirect_dma semaphore(%arg13 : memref<!tpu.dma_semaphore, #tpu.memory_space<semaphore_mem>>) src(%dma_wait3A_718 : memref<270336x128xf32, #tpu.memory_space<hbm>>) dst(%dma_wait3A_712 : memref<128x128xf32, #tpu.memory_space<vmem>>)
    %dma_start3A_719 = arith.constant 0 : i32
    %dma_start3A_720 = arith.constant 0 : i32
    %dma_start3A_721 = tpu.memref_slice %arg11[%dma_start3A_719, %dma_start3A_720] : memref<256x128xf32, #tpu.memory_space<vmem>> -> memref<128x128xf32, #tpu.memory_space<vmem>>
    %dma_start3A_722 = arith.constant 0 : i32
    %dma_start3A_723 = tpu.memref_slice %arg5[%mul3A_709, %dma_start3A_722] : memref<4096x128xf32, #tpu.memory_space<hbm>> -> memref<128x128xf32, #tpu.memory_space<hbm>>
    %dma_start3A_724 = arith.constant 0 : i32
    %dma_start3A_725 = tpu.memref_slice %arg5[%mul3A_709, %dma_start3A_724] : memref<4096x128xf32, #tpu.memory_space<hbm>> -> memref<128x128xf32, #tpu.memory_space<hbm>>
    %dma_start3A_726 = arith.constant 0 : i32
    %dma_start3A_727 = arith.constant 0 : i32
    %dma_start3A_728 = tpu.memref_slice %arg11[%dma_start3A_726, %dma_start3A_727] : memref<256x128xf32, #tpu.memory_space<vmem>> -> memref<128x128xf32, #tpu.memory_space<vmem>>
    tpu.enqueue_dma source(%dma_start3A_728 : memref<128x128xf32, #tpu.memory_space<vmem>>) target(%dma_start3A_725 : memref<128x128xf32, #tpu.memory_space<hbm>>) target_semaphore(%arg17 : memref<!tpu.dma_semaphore, #tpu.memory_space<semaphore_mem>>)
    %dma_wait3A_729 = arith.constant 0 : i32
    %dma_wait3A_730 = arith.constant 0 : i32
    %dma_wait3A_731 = arith.constant 0 : i32
    %dma_wait3A_732 = tpu.memref_slice %arg12[%dma_wait3A_730, %dma_wait3A_731] : memref<256x128xf32, #tpu.memory_space<vmem>> -> memref<128x128xf32, #tpu.memory_space<vmem>>
    %dma_wait3A_733 = arith.constant 0 : i32
    %dma_wait3A_734 = tpu.memref_slice %arg10[%dma_wait3A_729, %dma_wait3A_733] : memref<2x128xi32, #tpu.memory_space<vmem>> -> memref<1x128xi32, #tpu.memory_space<vmem>>
    %dma_wait3A_735 = tpu.memref_squeeze %dma_wait3A_734 : memref<1x128xi32, #tpu.memory_space<vmem>> -> memref<128xi32, #tpu.memory_space<vmem>>
    %dma_wait3A_736 = arith.constant 0 : i32
    %dma_wait3A_737 = arith.constant 0 : i32
    %dma_wait3A_738 = tpu.memref_slice %arg3[%dma_wait3A_736, %dma_wait3A_737] : memref<270336x128xf32, #tpu.memory_space<hbm>> -> memref<270336x128xf32, #tpu.memory_space<hbm>>
    tpu.wait_indirect_dma semaphore(%arg14 : memref<!tpu.dma_semaphore, #tpu.memory_space<semaphore_mem>>) src(%dma_wait3A_738 : memref<270336x128xf32, #tpu.memory_space<hbm>>) dst(%dma_wait3A_732 : memref<128x128xf32, #tpu.memory_space<vmem>>)
    %dma_start3A_739 = arith.constant 0 : i32
    %dma_start3A_740 = arith.constant 0 : i32
    %dma_start3A_741 = tpu.memref_slice %arg12[%dma_start3A_739, %dma_start3A_740] : memref<256x128xf32, #tpu.memory_space<vmem>> -> memref<128x128xf32, #tpu.memory_space<vmem>>
    %dma_start3A_742 = arith.constant 0 : i32
    %dma_start3A_743 = tpu.memref_slice %arg7[%mul3A_709, %dma_start3A_742] : memref<4096x128xf32, #tpu.memory_space<hbm>> -> memref<128x128xf32, #tpu.memory_space<hbm>>
    %dma_start3A_744 = arith.constant 0 : i32
    %dma_start3A_745 = tpu.memref_slice %arg7[%mul3A_709, %dma_start3A_744] : memref<4096x128xf32, #tpu.memory_space<hbm>> -> memref<128x128xf32, #tpu.memory_space<hbm>>
    %dma_start3A_746 = arith.constant 0 : i32
    %dma_start3A_747 = arith.constant 0 : i32
    %dma_start3A_748 = tpu.memref_slice %arg12[%dma_start3A_746, %dma_start3A_747] : memref<256x128xf32, #tpu.memory_space<vmem>> -> memref<128x128xf32, #tpu.memory_space<vmem>>
    tpu.enqueue_dma source(%dma_start3A_748 : memref<128x128xf32, #tpu.memory_space<vmem>>) target(%dma_start3A_745 : memref<128x128xf32, #tpu.memory_space<hbm>>) target_semaphore(%arg17 : memref<!tpu.dma_semaphore, #tpu.memory_space<semaphore_mem>>)
    %dma_wait3A_749 = arith.constant 1 : i32
    %dma_wait3A_750 = arith.constant 128 : i32
    %dma_wait3A_751 = arith.constant 0 : i32
    %dma_wait3A_752 = tpu.memref_slice %arg11[%dma_wait3A_750, %dma_wait3A_751] : memref<256x128xf32, #tpu.memory_space<vmem>> -> memref<128x128xf32, #tpu.memory_space<vmem>>
    %dma_wait3A_753 = arith.constant 0 : i32
    %dma_wait3A_754 = tpu.memref_slice %arg10[%dma_wait3A_749, %dma_wait3A_753] : memref<2x128xi32, #tpu.memory_space<vmem>> -> memref<1x128xi32, #tpu.memory_space<vmem>>
    %dma_wait3A_755 = tpu.memref_squeeze %dma_wait3A_754 : memref<1x128xi32, #tpu.memory_space<vmem>> -> memref<128xi32, #tpu.memory_space<vmem>>
    %dma_wait3A_756 = arith.constant 0 : i32
    %dma_wait3A_757 = arith.constant 0 : i32
    %dma_wait3A_758 = tpu.memref_slice %arg2[%dma_wait3A_756, %dma_wait3A_757] : memref<270336x128xf32, #tpu.memory_space<hbm>> -> memref<270336x128xf32, #tpu.memory_space<hbm>>
    tpu.wait_indirect_dma semaphore(%arg15 : memref<!tpu.dma_semaphore, #tpu.memory_space<semaphore_mem>>) src(%dma_wait3A_758 : memref<270336x128xf32, #tpu.memory_space<hbm>>) dst(%dma_wait3A_752 : memref<128x128xf32, #tpu.memory_space<vmem>>)
    %dma_start3A_759 = arith.constant 128 : i32
    %dma_start3A_760 = arith.constant 0 : i32
    %dma_start3A_761 = tpu.memref_slice %arg11[%dma_start3A_759, %dma_start3A_760] : memref<256x128xf32, #tpu.memory_space<vmem>> -> memref<128x128xf32, #tpu.memory_space<vmem>>
    %dma_start3A_762 = arith.constant 0 : i32
    %dma_start3A_763 = tpu.memref_slice %arg6[%mul3A_709, %dma_start3A_762] : memref<4096x128xf32, #tpu.memory_space<hbm>> -> memref<128x128xf32, #tpu.memory_space<hbm>>
    %dma_start3A_764 = arith.constant 0 : i32
    %dma_start3A_765 = tpu.memref_slice %arg6[%mul3A_709, %dma_start3A_764] : memref<4096x128xf32, #tpu.memory_space<hbm>> -> memref<128x128xf32, #tpu.memory_space<hbm>>
    %dma_start3A_766 = arith.constant 128 : i32
    %dma_start3A_767 = arith.constant 0 : i32
    %dma_start3A_768 = tpu.memref_slice %arg11[%dma_start3A_766, %dma_start3A_767] : memref<256x128xf32, #tpu.memory_space<vmem>> -> memref<128x128xf32, #tpu.memory_space<vmem>>
    tpu.enqueue_dma source(%dma_start3A_768 : memref<128x128xf32, #tpu.memory_space<vmem>>) target(%dma_start3A_765 : memref<128x128xf32, #tpu.memory_space<hbm>>) target_semaphore(%arg17 : memref<!tpu.dma_semaphore, #tpu.memory_space<semaphore_mem>>)
    %dma_wait3A_769 = arith.constant 1 : i32
    %dma_wait3A_770 = arith.constant 128 : i32
    %dma_wait3A_771 = arith.constant 0 : i32
    %dma_wait3A_772 = tpu.memref_slice %arg12[%dma_wait3A_770, %dma_wait3A_771] : memref<256x128xf32, #tpu.memory_space<vmem>> -> memref<128x128xf32, #tpu.memory_space<vmem>>
    %dma_wait3A_773 = arith.constant 0 : i32
    %dma_wait3A_774 = tpu.memref_slice %arg10[%dma_wait3A_769, %dma_wait3A_773] : memref<2x128xi32, #tpu.memory_space<vmem>> -> memref<1x128xi32, #tpu.memory_space<vmem>>
    %dma_wait3A_775 = tpu.memref_squeeze %dma_wait3A_774 : memref<1x128xi32, #tpu.memory_space<vmem>> -> memref<128xi32, #tpu.memory_space<vmem>>
    %dma_wait3A_776 = arith.constant 0 : i32
    %dma_wait3A_777 = arith.constant 0 : i32
    %dma_wait3A_778 = tpu.memref_slice %arg3[%dma_wait3A_776, %dma_wait3A_777] : memref<270336x128xf32, #tpu.memory_space<hbm>> -> memref<270336x128xf32, #tpu.memory_space<hbm>>
    tpu.wait_indirect_dma semaphore(%arg16 : memref<!tpu.dma_semaphore, #tpu.memory_space<semaphore_mem>>) src(%dma_wait3A_778 : memref<270336x128xf32, #tpu.memory_space<hbm>>) dst(%dma_wait3A_772 : memref<128x128xf32, #tpu.memory_space<vmem>>)
    %dma_start3A_779 = arith.constant 128 : i32
    %dma_start3A_780 = arith.constant 0 : i32
    %dma_start3A_781 = tpu.memref_slice %arg12[%dma_start3A_779, %dma_start3A_780] : memref<256x128xf32, #tpu.memory_space<vmem>> -> memref<128x128xf32, #tpu.memory_space<vmem>>
    %dma_start3A_782 = arith.constant 0 : i32
    %dma_start3A_783 = tpu.memref_slice %arg8[%mul3A_709, %dma_start3A_782] : memref<4096x128xf32, #tpu.memory_space<hbm>> -> memref<128x128xf32, #tpu.memory_space<hbm>>
    %dma_start3A_784 = arith.constant 0 : i32
    %dma_start3A_785 = tpu.memref_slice %arg8[%mul3A_709, %dma_start3A_784] : memref<4096x128xf32, #tpu.memory_space<hbm>> -> memref<128x128xf32, #tpu.memory_space<hbm>>
    %dma_start3A_786 = arith.constant 128 : i32
    %dma_start3A_787 = arith.constant 0 : i32
    %dma_start3A_788 = tpu.memref_slice %arg12[%dma_start3A_786, %dma_start3A_787] : memref<256x128xf32, #tpu.memory_space<vmem>> -> memref<128x128xf32, #tpu.memory_space<vmem>>
    tpu.enqueue_dma source(%dma_start3A_788 : memref<128x128xf32, #tpu.memory_space<vmem>>) target(%dma_start3A_785 : memref<128x128xf32, #tpu.memory_space<hbm>>) target_semaphore(%arg17 : memref<!tpu.dma_semaphore, #tpu.memory_space<semaphore_mem>>)
    %dma_wait3A_789 = arith.constant 0 : i32
    %dma_wait3A_790 = arith.constant 0 : i32
    %dma_wait3A_791 = tpu.memref_slice %arg11[%dma_wait3A_789, %dma_wait3A_790] : memref<256x128xf32, #tpu.memory_space<vmem>> -> memref<128x128xf32, #tpu.memory_space<vmem>>
    %dma_wait3A_792 = arith.constant 0 : i32
    %dma_wait3A_793 = tpu.memref_slice %arg5[%mul3A_709, %dma_wait3A_792] : memref<4096x128xf32, #tpu.memory_space<hbm>> -> memref<128x128xf32, #tpu.memory_space<hbm>>
    %dma_wait3A_794 = arith.constant 0 : i32
    %dma_wait3A_795 = tpu.memref_slice %arg5[%mul3A_709, %dma_wait3A_794] : memref<4096x128xf32, #tpu.memory_space<hbm>> -> memref<128x128xf32, #tpu.memory_space<hbm>>
    %dma_wait3A_796 = arith.constant 0 : i32
    %dma_wait3A_797 = arith.constant 0 : i32
    %dma_wait3A_798 = tpu.memref_slice %arg11[%dma_wait3A_796, %dma_wait3A_797] : memref<256x128xf32, #tpu.memory_space<vmem>> -> memref<128x128xf32, #tpu.memory_space<vmem>>
    tpu.wait_dma2 semaphore(%arg17 : memref<!tpu.dma_semaphore, #tpu.memory_space<semaphore_mem>>) src(%dma_wait3A_798 : memref<128x128xf32, #tpu.memory_space<vmem>>) dst(%dma_wait3A_795 : memref<128x128xf32, #tpu.memory_space<hbm>>)
    %dma_wait3A_799 = arith.constant 0 : i32
    %dma_wait3A_800 = arith.constant 0 : i32
    %dma_wait3A_801 = tpu.memref_slice %arg12[%dma_wait3A_799, %dma_wait3A_800] : memref<256x128xf32, #tpu.memory_space<vmem>> -> memref<128x128xf32, #tpu.memory_space<vmem>>
    %dma_wait3A_802 = arith.constant 0 : i32
    %dma_wait3A_803 = tpu.memref_slice %arg7[%mul3A_709, %dma_wait3A_802] : memref<4096x128xf32, #tpu.memory_space<hbm>> -> memref<128x128xf32, #tpu.memory_space<hbm>>
    %dma_wait3A_804 = arith.constant 0 : i32
    %dma_wait3A_805 = tpu.memref_slice %arg7[%mul3A_709, %dma_wait3A_804] : memref<4096x128xf32, #tpu.memory_space<hbm>> -> memref<128x128xf32, #tpu.memory_space<hbm>>
    %dma_wait3A_806 = arith.constant 0 : i32
    %dma_wait3A_807 = arith.constant 0 : i32
    %dma_wait3A_808 = tpu.memref_slice %arg12[%dma_wait3A_806, %dma_wait3A_807] : memref<256x128xf32, #tpu.memory_space<vmem>> -> memref<128x128xf32, #tpu.memory_space<vmem>>
    tpu.wait_dma2 semaphore(%arg17 : memref<!tpu.dma_semaphore, #tpu.memory_space<semaphore_mem>>) src(%dma_wait3A_808 : memref<128x128xf32, #tpu.memory_space<vmem>>) dst(%dma_wait3A_805 : memref<128x128xf32, #tpu.memory_space<hbm>>)
    %dma_wait3A_809 = arith.constant 128 : i32
    %dma_wait3A_810 = arith.constant 0 : i32
    %dma_wait3A_811 = tpu.memref_slice %arg11[%dma_wait3A_809, %dma_wait3A_810] : memref<256x128xf32, #tpu.memory_space<vmem>> -> memref<128x128xf32, #tpu.memory_space<vmem>>
    %dma_wait3A_812 = arith.constant 0 : i32
    %dma_wait3A_813 = tpu.memref_slice %arg6[%mul3A_709, %dma_wait3A_812] : memref<4096x128xf32, #tpu.memory_space<hbm>> -> memref<128x128xf32, #tpu.memory_space<hbm>>
    %dma_wait3A_814 = arith.constant 0 : i32
    %dma_wait3A_815 = tpu.memref_slice %arg6[%mul3A_709, %dma_wait3A_814] : memref<4096x128xf32, #tpu.memory_space<hbm>> -> memref<128x128xf32, #tpu.memory_space<hbm>>
    %dma_wait3A_816 = arith.constant 128 : i32
    %dma_wait3A_817 = arith.constant 0 : i32
    %dma_wait3A_818 = tpu.memref_slice %arg11[%dma_wait3A_816, %dma_wait3A_817] : memref<256x128xf32, #tpu.memory_space<vmem>> -> memref<128x128xf32, #tpu.memory_space<vmem>>
    tpu.wait_dma2 semaphore(%arg17 : memref<!tpu.dma_semaphore, #tpu.memory_space<semaphore_mem>>) src(%dma_wait3A_818 : memref<128x128xf32, #tpu.memory_space<vmem>>) dst(%dma_wait3A_815 : memref<128x128xf32, #tpu.memory_space<hbm>>)
    %dma_wait3A_819 = arith.constant 128 : i32
    %dma_wait3A_820 = arith.constant 0 : i32
    %dma_wait3A_821 = tpu.memref_slice %arg12[%dma_wait3A_819, %dma_wait3A_820] : memref<256x128xf32, #tpu.memory_space<vmem>> -> memref<128x128xf32, #tpu.memory_space<vmem>>
    %dma_wait3A_822 = arith.constant 0 : i32
    %dma_wait3A_823 = tpu.memref_slice %arg8[%mul3A_709, %dma_wait3A_822] : memref<4096x128xf32, #tpu.memory_space<hbm>> -> memref<128x128xf32, #tpu.memory_space<hbm>>
    %dma_wait3A_824 = arith.constant 0 : i32
    %dma_wait3A_825 = tpu.memref_slice %arg8[%mul3A_709, %dma_wait3A_824] : memref<4096x128xf32, #tpu.memory_space<hbm>> -> memref<128x128xf32, #tpu.memory_space<hbm>>
    %dma_wait3A_826 = arith.constant 128 : i32
    %dma_wait3A_827 = arith.constant 0 : i32
    %dma_wait3A_828 = tpu.memref_slice %arg12[%dma_wait3A_826, %dma_wait3A_827] : memref<256x128xf32, #tpu.memory_space<vmem>> -> memref<128x128xf32, #tpu.memory_space<vmem>>
    tpu.wait_dma2 semaphore(%arg17 : memref<!tpu.dma_semaphore, #tpu.memory_space<semaphore_mem>>) src(%dma_wait3A_828 : memref<128x128xf32, #tpu.memory_space<vmem>>) dst(%dma_wait3A_825 : memref<128x128xf32, #tpu.memory_space<hbm>>)
    return
  }
}

module attributes {stable_mosaic.version = 14 : i64} {
  func.func @_lstm_body(%arg0: i32, %arg1: memref<2048x512xf32, #tpu.memory_space<vmem>>, %arg2: memref<2048x512xf32, #tpu.memory_space<vmem>>, %arg3: memref<2048x512xf32, #tpu.memory_space<vmem>>, %arg4: memref<2048x512xf32, #tpu.memory_space<vmem>>, %arg5: memref<1x2048xf32, #tpu.memory_space<vmem>>, %arg6: memref<1x2048xf32, #tpu.memory_space<vmem>>, %arg7: memref<256x512xf32, #tpu.memory_space<vmem>>, %arg8: memref<256x1xi32, #tpu.memory_space<vmem>>, %arg9: memref<256x512xf32, #tpu.memory_space<vmem>>, %arg10: memref<256x512xf32, #tpu.memory_space<vmem>>, %arg11: memref<256x512xf32, #tpu.memory_space<vmem>>, %arg12: memref<256x512xf32, #tpu.memory_space<vmem>>, %arg13: memref<256x8x128xf32, #tpu.memory_space<vmem>>, %arg14: memref<256x8x128xf32, #tpu.memory_space<vmem>>, %arg15: memref<256x512xf32, #tpu.memory_space<vmem>>) attributes {dimension_semantics = [#tpu.dimension_semantics<arbitrary>], iteration_bounds = array<i64: 4>, scalar_prefetch = 0 : i64, scratch_operands = 0 : i64, tpu.core_type = #tpu.core_type<tc>, window_params = [{pipeline_mode = #tpu.pipeline_mode<synchronous>, transform_indices = @transform_0, window_bounds = array<i64: 2048, 512>}, {pipeline_mode = #tpu.pipeline_mode<synchronous>, transform_indices = @transform_1, window_bounds = array<i64: 2048, 512>}, {pipeline_mode = #tpu.pipeline_mode<synchronous>, transform_indices = @transform_2, window_bounds = array<i64: 2048, 512>}, {pipeline_mode = #tpu.pipeline_mode<synchronous>, transform_indices = @transform_3, window_bounds = array<i64: 2048, 512>}, {pipeline_mode = #tpu.pipeline_mode<synchronous>, transform_indices = @transform_4, window_bounds = array<i64: 1, 2048>}, {pipeline_mode = #tpu.pipeline_mode<synchronous>, transform_indices = @transform_5, window_bounds = array<i64: 1, 2048>}, {transform_indices = @transform_6, window_bounds = array<i64: 256, 512>}, {transform_indices = @transform_7, window_bounds = array<i64: 256, 1>}, {transform_indices = @transform_8, window_bounds = array<i64: 256, 512>}, {transform_indices = @transform_9, window_bounds = array<i64: 256, 512>}, {transform_indices = @transform_10, window_bounds = array<i64: 256, 512>}, {transform_indices = @transform_11, window_bounds = array<i64: 256, 512>}, {transform_indices = @transform_12, window_bounds = array<i64: 256, 8, 128>}, {transform_indices = @transform_13, window_bounds = array<i64: 256, 8, 128>}, {transform_indices = @transform_14, window_bounds = array<i64: 256, 512>}]} {
    %get3A = arith.constant 0 : index
    %get3A_0 = arith.constant 0 : index
    %get3A_1 = vector.load %arg9[%get3A, %get3A_0] : memref<256x512xf32, #tpu.memory_space<vmem>>, vector<256x512xf32>
    %get3A_2 = arith.constant 0 : index
    %get3A_3 = arith.constant 0 : index
    %get3A_4 = vector.load %arg10[%get3A_2, %get3A_3] : memref<256x512xf32, #tpu.memory_space<vmem>>, vector<256x512xf32>
    %get3A_5 = arith.constant 0 : index
    %get3A_6 = arith.constant 0 : index
    %get3A_7 = vector.load %arg11[%get3A_5, %get3A_6] : memref<256x512xf32, #tpu.memory_space<vmem>>, vector<256x512xf32>
    %get3A_8 = arith.constant 0 : index
    %get3A_9 = arith.constant 0 : index
    %get3A_10 = vector.load %arg12[%get3A_8, %get3A_9] : memref<256x512xf32, #tpu.memory_space<vmem>>, vector<256x512xf32>
    %get3A_11 = arith.constant 0 : index
    %get3A_12 = arith.constant 0 : index
    %get3A_13 = vector.load %arg7[%get3A_11, %get3A_12] : memref<256x512xf32, #tpu.memory_space<vmem>>, vector<256x512xf32>
    %get3A_14 = arith.constant 0 : index
    %get3A_15 = arith.constant 0 : index
    %get3A_16 = vector.load %arg1[%get3A_14, %get3A_15] : memref<2048x512xf32, #tpu.memory_space<vmem>>, vector<2048x512xf32>
    %dot_general3A = arith.constant dense<0.000000e+00> : vector<256x2048xf32>
    %dot_general3A_17 = tpu.matmul %get3A_13, %get3A_16, %dot_general3A {dimension_numbers = #tpu.dot_dimension_numbers<[1], [1], [0], [0], [0, 0, 1, 0], [], []>, transpose_lhs_hint = false} : vector<256x512xf32>, vector<2048x512xf32>, vector<256x2048xf32> -> vector<256x2048xf32>
    %get3A_18 = arith.constant 0 : index
    %get3A_19 = arith.constant 0 : index
    %get3A_20 = vector.load %arg2[%get3A_18, %get3A_19] : memref<2048x512xf32, #tpu.memory_space<vmem>>, vector<2048x512xf32>
    %dot_general3A_21 = arith.constant dense<0.000000e+00> : vector<256x2048xf32>
    %dot_general3A_22 = tpu.matmul %get3A_1, %get3A_20, %dot_general3A_21 {dimension_numbers = #tpu.dot_dimension_numbers<[1], [1], [0], [0], [0, 0, 1, 0], [], []>, transpose_lhs_hint = false} : vector<256x512xf32>, vector<2048x512xf32>, vector<256x2048xf32> -> vector<256x2048xf32>
    %add3A = arith.addf %dot_general3A_17, %dot_general3A_22 : vector<256x2048xf32>
    %get3A_23 = arith.constant 0 : index
    %get3A_24 = arith.constant 0 : index
    %get3A_25 = vector.load %arg5[%get3A_23, %get3A_24] : memref<1x2048xf32, #tpu.memory_space<vmem>>, vector<1x2048xf32>
    %add3A_26 = vector.broadcast %get3A_25 : vector<1x2048xf32> to vector<256x2048xf32>
    %add3A_27 = arith.addf %add3A, %add3A_26 : vector<256x2048xf32>
    %slice3A = vector.extract_strided_slice %add3A_27 {offsets = [0, 0], sizes = [256, 512], strides = [1, 1]} : vector<256x2048xf32> to vector<256x512xf32>
    %slice3A_28 = vector.extract_strided_slice %add3A_27 {offsets = [0, 512], sizes = [256, 512], strides = [1, 1]} : vector<256x2048xf32> to vector<256x512xf32>
    %slice3A_29 = vector.extract_strided_slice %add3A_27 {offsets = [0, 1024], sizes = [256, 512], strides = [1, 1]} : vector<256x2048xf32> to vector<256x512xf32>
    %slice3A_30 = vector.extract_strided_slice %add3A_27 {offsets = [0, 1536], sizes = [256, 512], strides = [1, 1]} : vector<256x2048xf32> to vector<256x512xf32>
    %logistic3A = arith.negf %slice3A_28 : vector<256x512xf32>
    %logistic3A_31 = math.exp %logistic3A : vector<256x512xf32>
    %logistic3A_32 = arith.constant 1.000000e+00 : f32
    %logistic3A_33 = vector.broadcast %logistic3A_32 : f32 to vector<256x512xf32>
    %logistic3A_34 = arith.addf %logistic3A_33, %logistic3A_31 : vector<256x512xf32>
    %logistic3A_35 = arith.divf %logistic3A_33, %logistic3A_34 : vector<256x512xf32>
    %mul3A = arith.mulf %logistic3A_35, %get3A_7 : vector<256x512xf32>
    %logistic3A_36 = arith.negf %slice3A : vector<256x512xf32>
    %logistic3A_37 = math.exp %logistic3A_36 : vector<256x512xf32>
    %logistic3A_38 = arith.constant 1.000000e+00 : f32
    %logistic3A_39 = vector.broadcast %logistic3A_38 : f32 to vector<256x512xf32>
    %logistic3A_40 = arith.addf %logistic3A_39, %logistic3A_37 : vector<256x512xf32>
    %logistic3A_41 = arith.divf %logistic3A_39, %logistic3A_40 : vector<256x512xf32>
    %tanh3A = math.tanh %slice3A_29 : vector<256x512xf32>
    %mul3A_42 = arith.mulf %logistic3A_41, %tanh3A : vector<256x512xf32>
    %add3A_43 = arith.addf %mul3A, %mul3A_42 : vector<256x512xf32>
    %logistic3A_44 = arith.negf %slice3A_30 : vector<256x512xf32>
    %logistic3A_45 = math.exp %logistic3A_44 : vector<256x512xf32>
    %logistic3A_46 = arith.constant 1.000000e+00 : f32
    %logistic3A_47 = vector.broadcast %logistic3A_46 : f32 to vector<256x512xf32>
    %logistic3A_48 = arith.addf %logistic3A_47, %logistic3A_45 : vector<256x512xf32>
    %logistic3A_49 = arith.divf %logistic3A_47, %logistic3A_48 : vector<256x512xf32>
    %tanh3A_50 = math.tanh %add3A_43 : vector<256x512xf32>
    %mul3A_51 = arith.mulf %logistic3A_49, %tanh3A_50 : vector<256x512xf32>
    %get3A_52 = arith.constant 0 : index
    %get3A_53 = arith.constant 0 : index
    %get3A_54 = vector.load %arg3[%get3A_52, %get3A_53] : memref<2048x512xf32, #tpu.memory_space<vmem>>, vector<2048x512xf32>
    %dot_general3A_55 = arith.constant dense<0.000000e+00> : vector<256x2048xf32>
    %dot_general3A_56 = tpu.matmul %mul3A_51, %get3A_54, %dot_general3A_55 {dimension_numbers = #tpu.dot_dimension_numbers<[1], [1], [0], [0], [0, 0, 1, 0], [], []>, transpose_lhs_hint = false} : vector<256x512xf32>, vector<2048x512xf32>, vector<256x2048xf32> -> vector<256x2048xf32>
    %get3A_57 = arith.constant 0 : index
    %get3A_58 = arith.constant 0 : index
    %get3A_59 = vector.load %arg4[%get3A_57, %get3A_58] : memref<2048x512xf32, #tpu.memory_space<vmem>>, vector<2048x512xf32>
    %dot_general3A_60 = arith.constant dense<0.000000e+00> : vector<256x2048xf32>
    %dot_general3A_61 = tpu.matmul %get3A_4, %get3A_59, %dot_general3A_60 {dimension_numbers = #tpu.dot_dimension_numbers<[1], [1], [0], [0], [0, 0, 1, 0], [], []>, transpose_lhs_hint = false} : vector<256x512xf32>, vector<2048x512xf32>, vector<256x2048xf32> -> vector<256x2048xf32>
    %add3A_62 = arith.addf %dot_general3A_56, %dot_general3A_61 : vector<256x2048xf32>
    %get3A_63 = arith.constant 0 : index
    %get3A_64 = arith.constant 0 : index
    %get3A_65 = vector.load %arg6[%get3A_63, %get3A_64] : memref<1x2048xf32, #tpu.memory_space<vmem>>, vector<1x2048xf32>
    %add3A_66 = vector.broadcast %get3A_65 : vector<1x2048xf32> to vector<256x2048xf32>
    %add3A_67 = arith.addf %add3A_62, %add3A_66 : vector<256x2048xf32>
    %slice3A_68 = vector.extract_strided_slice %add3A_67 {offsets = [0, 0], sizes = [256, 512], strides = [1, 1]} : vector<256x2048xf32> to vector<256x512xf32>
    %slice3A_69 = vector.extract_strided_slice %add3A_67 {offsets = [0, 512], sizes = [256, 512], strides = [1, 1]} : vector<256x2048xf32> to vector<256x512xf32>
    %slice3A_70 = vector.extract_strided_slice %add3A_67 {offsets = [0, 1024], sizes = [256, 512], strides = [1, 1]} : vector<256x2048xf32> to vector<256x512xf32>
    %slice3A_71 = vector.extract_strided_slice %add3A_67 {offsets = [0, 1536], sizes = [256, 512], strides = [1, 1]} : vector<256x2048xf32> to vector<256x512xf32>
    %logistic3A_72 = arith.negf %slice3A_69 : vector<256x512xf32>
    %logistic3A_73 = math.exp %logistic3A_72 : vector<256x512xf32>
    %logistic3A_74 = arith.constant 1.000000e+00 : f32
    %logistic3A_75 = vector.broadcast %logistic3A_74 : f32 to vector<256x512xf32>
    %logistic3A_76 = arith.addf %logistic3A_75, %logistic3A_73 : vector<256x512xf32>
    %logistic3A_77 = arith.divf %logistic3A_75, %logistic3A_76 : vector<256x512xf32>
    %mul3A_78 = arith.mulf %logistic3A_77, %get3A_10 : vector<256x512xf32>
    %logistic3A_79 = arith.negf %slice3A_68 : vector<256x512xf32>
    %logistic3A_80 = math.exp %logistic3A_79 : vector<256x512xf32>
    %logistic3A_81 = arith.constant 1.000000e+00 : f32
    %logistic3A_82 = vector.broadcast %logistic3A_81 : f32 to vector<256x512xf32>
    %logistic3A_83 = arith.addf %logistic3A_82, %logistic3A_80 : vector<256x512xf32>
    %logistic3A_84 = arith.divf %logistic3A_82, %logistic3A_83 : vector<256x512xf32>
    %tanh3A_85 = math.tanh %slice3A_70 : vector<256x512xf32>
    %mul3A_86 = arith.mulf %logistic3A_84, %tanh3A_85 : vector<256x512xf32>
    %add3A_87 = arith.addf %mul3A_78, %mul3A_86 : vector<256x512xf32>
    %logistic3A_88 = arith.negf %slice3A_71 : vector<256x512xf32>
    %logistic3A_89 = math.exp %logistic3A_88 : vector<256x512xf32>
    %logistic3A_90 = arith.constant 1.000000e+00 : f32
    %logistic3A_91 = vector.broadcast %logistic3A_90 : f32 to vector<256x512xf32>
    %logistic3A_92 = arith.addf %logistic3A_91, %logistic3A_89 : vector<256x512xf32>
    %logistic3A_93 = arith.divf %logistic3A_91, %logistic3A_92 : vector<256x512xf32>
    %tanh3A_94 = math.tanh %add3A_87 : vector<256x512xf32>
    %mul3A_95 = arith.mulf %logistic3A_93, %tanh3A_94 : vector<256x512xf32>
    %slice3A_96 = vector.extract_strided_slice %mul3A_51 {offsets = [0, 0], sizes = [256, 128], strides = [1, 1]} : vector<256x512xf32> to vector<256x128xf32>
    %swap3A = arith.constant 0 : index
    %swap3A_97 = arith.constant 0 : index
    %swap3A_98 = arith.constant 0 : index
    %swap3A_99 = vector.load %arg13[%swap3A, %swap3A_97, %swap3A_98] : memref<256x8x128xf32, #tpu.memory_space<vmem>>, vector<256x1x128xf32>
    %swap3A_100 = vector.shape_cast %swap3A_99 : vector<256x1x128xf32> to vector<256x128xf32>
    %swap3A_101 = vector.shape_cast %slice3A_96 : vector<256x128xf32> to vector<256x1x128xf32>
    tpu.vector_store %arg13[%swap3A, %swap3A_97, %swap3A_98], %swap3A_101 {strides = array<i32>} : memref<256x8x128xf32, #tpu.memory_space<vmem>>, vector<256x1x128xf32>,
    %slice3A_102 = vector.extract_strided_slice %mul3A_95 {offsets = [0, 0], sizes = [256, 128], strides = [1, 1]} : vector<256x512xf32> to vector<256x128xf32>
    %swap3A_103 = arith.constant 0 : index
    %swap3A_104 = arith.constant 1 : index
    %swap3A_105 = arith.constant 0 : index
    %swap3A_106 = vector.load %arg13[%swap3A_103, %swap3A_104, %swap3A_105] : memref<256x8x128xf32, #tpu.memory_space<vmem>>, vector<256x1x128xf32>
    %swap3A_107 = vector.shape_cast %swap3A_106 : vector<256x1x128xf32> to vector<256x128xf32>
    %swap3A_108 = vector.shape_cast %slice3A_102 : vector<256x128xf32> to vector<256x1x128xf32>
    tpu.vector_store %arg13[%swap3A_103, %swap3A_104, %swap3A_105], %swap3A_108 {strides = array<i32>} : memref<256x8x128xf32, #tpu.memory_space<vmem>>, vector<256x1x128xf32>,
    %slice3A_109 = vector.extract_strided_slice %add3A_43 {offsets = [0, 0], sizes = [256, 128], strides = [1, 1]} : vector<256x512xf32> to vector<256x128xf32>
    %swap3A_110 = arith.constant 0 : index
    %swap3A_111 = arith.constant 0 : index
    %swap3A_112 = arith.constant 0 : index
    %swap3A_113 = vector.load %arg14[%swap3A_110, %swap3A_111, %swap3A_112] : memref<256x8x128xf32, #tpu.memory_space<vmem>>, vector<256x1x128xf32>
    %swap3A_114 = vector.shape_cast %swap3A_113 : vector<256x1x128xf32> to vector<256x128xf32>
    %swap3A_115 = vector.shape_cast %slice3A_109 : vector<256x128xf32> to vector<256x1x128xf32>
    tpu.vector_store %arg14[%swap3A_110, %swap3A_111, %swap3A_112], %swap3A_115 {strides = array<i32>} : memref<256x8x128xf32, #tpu.memory_space<vmem>>, vector<256x1x128xf32>,
    %slice3A_116 = vector.extract_strided_slice %add3A_87 {offsets = [0, 0], sizes = [256, 128], strides = [1, 1]} : vector<256x512xf32> to vector<256x128xf32>
    %swap3A_117 = arith.constant 0 : index
    %swap3A_118 = arith.constant 1 : index
    %swap3A_119 = arith.constant 0 : index
    %swap3A_120 = vector.load %arg14[%swap3A_117, %swap3A_118, %swap3A_119] : memref<256x8x128xf32, #tpu.memory_space<vmem>>, vector<256x1x128xf32>
    %swap3A_121 = vector.shape_cast %swap3A_120 : vector<256x1x128xf32> to vector<256x128xf32>
    %swap3A_122 = vector.shape_cast %slice3A_116 : vector<256x128xf32> to vector<256x1x128xf32>
    tpu.vector_store %arg14[%swap3A_117, %swap3A_118, %swap3A_119], %swap3A_122 {strides = array<i32>} : memref<256x8x128xf32, #tpu.memory_space<vmem>>, vector<256x1x128xf32>,
    %slice3A_123 = vector.extract_strided_slice %mul3A_51 {offsets = [0, 128], sizes = [256, 128], strides = [1, 1]} : vector<256x512xf32> to vector<256x128xf32>
    %swap3A_124 = arith.constant 0 : index
    %swap3A_125 = arith.constant 2 : index
    %swap3A_126 = arith.constant 0 : index
    %swap3A_127 = vector.load %arg13[%swap3A_124, %swap3A_125, %swap3A_126] : memref<256x8x128xf32, #tpu.memory_space<vmem>>, vector<256x1x128xf32>
    %swap3A_128 = vector.shape_cast %swap3A_127 : vector<256x1x128xf32> to vector<256x128xf32>
    %swap3A_129 = vector.shape_cast %slice3A_123 : vector<256x128xf32> to vector<256x1x128xf32>
    tpu.vector_store %arg13[%swap3A_124, %swap3A_125, %swap3A_126], %swap3A_129 {strides = array<i32>} : memref<256x8x128xf32, #tpu.memory_space<vmem>>, vector<256x1x128xf32>,
    %slice3A_130 = vector.extract_strided_slice %mul3A_95 {offsets = [0, 128], sizes = [256, 128], strides = [1, 1]} : vector<256x512xf32> to vector<256x128xf32>
    %swap3A_131 = arith.constant 0 : index
    %swap3A_132 = arith.constant 3 : index
    %swap3A_133 = arith.constant 0 : index
    %swap3A_134 = vector.load %arg13[%swap3A_131, %swap3A_132, %swap3A_133] : memref<256x8x128xf32, #tpu.memory_space<vmem>>, vector<256x1x128xf32>
    %swap3A_135 = vector.shape_cast %swap3A_134 : vector<256x1x128xf32> to vector<256x128xf32>
    %swap3A_136 = vector.shape_cast %slice3A_130 : vector<256x128xf32> to vector<256x1x128xf32>
    tpu.vector_store %arg13[%swap3A_131, %swap3A_132, %swap3A_133], %swap3A_136 {strides = array<i32>} : memref<256x8x128xf32, #tpu.memory_space<vmem>>, vector<256x1x128xf32>,
    %slice3A_137 = vector.extract_strided_slice %add3A_43 {offsets = [0, 128], sizes = [256, 128], strides = [1, 1]} : vector<256x512xf32> to vector<256x128xf32>
    %swap3A_138 = arith.constant 0 : index
    %swap3A_139 = arith.constant 2 : index
    %swap3A_140 = arith.constant 0 : index
    %swap3A_141 = vector.load %arg14[%swap3A_138, %swap3A_139, %swap3A_140] : memref<256x8x128xf32, #tpu.memory_space<vmem>>, vector<256x1x128xf32>
    %swap3A_142 = vector.shape_cast %swap3A_141 : vector<256x1x128xf32> to vector<256x128xf32>
    %swap3A_143 = vector.shape_cast %slice3A_137 : vector<256x128xf32> to vector<256x1x128xf32>
    tpu.vector_store %arg14[%swap3A_138, %swap3A_139, %swap3A_140], %swap3A_143 {strides = array<i32>} : memref<256x8x128xf32, #tpu.memory_space<vmem>>, vector<256x1x128xf32>,
    %slice3A_144 = vector.extract_strided_slice %add3A_87 {offsets = [0, 128], sizes = [256, 128], strides = [1, 1]} : vector<256x512xf32> to vector<256x128xf32>
    %swap3A_145 = arith.constant 0 : index
    %swap3A_146 = arith.constant 3 : index
    %swap3A_147 = arith.constant 0 : index
    %swap3A_148 = vector.load %arg14[%swap3A_145, %swap3A_146, %swap3A_147] : memref<256x8x128xf32, #tpu.memory_space<vmem>>, vector<256x1x128xf32>
    %swap3A_149 = vector.shape_cast %swap3A_148 : vector<256x1x128xf32> to vector<256x128xf32>
    %swap3A_150 = vector.shape_cast %slice3A_144 : vector<256x128xf32> to vector<256x1x128xf32>
    tpu.vector_store %arg14[%swap3A_145, %swap3A_146, %swap3A_147], %swap3A_150 {strides = array<i32>} : memref<256x8x128xf32, #tpu.memory_space<vmem>>, vector<256x1x128xf32>,
    %slice3A_151 = vector.extract_strided_slice %mul3A_51 {offsets = [0, 256], sizes = [256, 128], strides = [1, 1]} : vector<256x512xf32> to vector<256x128xf32>
    %swap3A_152 = arith.constant 0 : index
    %swap3A_153 = arith.constant 4 : index
    %swap3A_154 = arith.constant 0 : index
    %swap3A_155 = vector.load %arg13[%swap3A_152, %swap3A_153, %swap3A_154] : memref<256x8x128xf32, #tpu.memory_space<vmem>>, vector<256x1x128xf32>
    %swap3A_156 = vector.shape_cast %swap3A_155 : vector<256x1x128xf32> to vector<256x128xf32>
    %swap3A_157 = vector.shape_cast %slice3A_151 : vector<256x128xf32> to vector<256x1x128xf32>
    tpu.vector_store %arg13[%swap3A_152, %swap3A_153, %swap3A_154], %swap3A_157 {strides = array<i32>} : memref<256x8x128xf32, #tpu.memory_space<vmem>>, vector<256x1x128xf32>,
    %slice3A_158 = vector.extract_strided_slice %mul3A_95 {offsets = [0, 256], sizes = [256, 128], strides = [1, 1]} : vector<256x512xf32> to vector<256x128xf32>
    %swap3A_159 = arith.constant 0 : index
    %swap3A_160 = arith.constant 5 : index
    %swap3A_161 = arith.constant 0 : index
    %swap3A_162 = vector.load %arg13[%swap3A_159, %swap3A_160, %swap3A_161] : memref<256x8x128xf32, #tpu.memory_space<vmem>>, vector<256x1x128xf32>
    %swap3A_163 = vector.shape_cast %swap3A_162 : vector<256x1x128xf32> to vector<256x128xf32>
    %swap3A_164 = vector.shape_cast %slice3A_158 : vector<256x128xf32> to vector<256x1x128xf32>
    tpu.vector_store %arg13[%swap3A_159, %swap3A_160, %swap3A_161], %swap3A_164 {strides = array<i32>} : memref<256x8x128xf32, #tpu.memory_space<vmem>>, vector<256x1x128xf32>,
    %slice3A_165 = vector.extract_strided_slice %add3A_43 {offsets = [0, 256], sizes = [256, 128], strides = [1, 1]} : vector<256x512xf32> to vector<256x128xf32>
    %swap3A_166 = arith.constant 0 : index
    %swap3A_167 = arith.constant 4 : index
    %swap3A_168 = arith.constant 0 : index
    %swap3A_169 = vector.load %arg14[%swap3A_166, %swap3A_167, %swap3A_168] : memref<256x8x128xf32, #tpu.memory_space<vmem>>, vector<256x1x128xf32>
    %swap3A_170 = vector.shape_cast %swap3A_169 : vector<256x1x128xf32> to vector<256x128xf32>
    %swap3A_171 = vector.shape_cast %slice3A_165 : vector<256x128xf32> to vector<256x1x128xf32>
    tpu.vector_store %arg14[%swap3A_166, %swap3A_167, %swap3A_168], %swap3A_171 {strides = array<i32>} : memref<256x8x128xf32, #tpu.memory_space<vmem>>, vector<256x1x128xf32>,
    %slice3A_172 = vector.extract_strided_slice %add3A_87 {offsets = [0, 256], sizes = [256, 128], strides = [1, 1]} : vector<256x512xf32> to vector<256x128xf32>
    %swap3A_173 = arith.constant 0 : index
    %swap3A_174 = arith.constant 5 : index
    %swap3A_175 = arith.constant 0 : index
    %swap3A_176 = vector.load %arg14[%swap3A_173, %swap3A_174, %swap3A_175] : memref<256x8x128xf32, #tpu.memory_space<vmem>>, vector<256x1x128xf32>
    %swap3A_177 = vector.shape_cast %swap3A_176 : vector<256x1x128xf32> to vector<256x128xf32>
    %swap3A_178 = vector.shape_cast %slice3A_172 : vector<256x128xf32> to vector<256x1x128xf32>
    tpu.vector_store %arg14[%swap3A_173, %swap3A_174, %swap3A_175], %swap3A_178 {strides = array<i32>} : memref<256x8x128xf32, #tpu.memory_space<vmem>>, vector<256x1x128xf32>,
    %slice3A_179 = vector.extract_strided_slice %mul3A_51 {offsets = [0, 384], sizes = [256, 128], strides = [1, 1]} : vector<256x512xf32> to vector<256x128xf32>
    %swap3A_180 = arith.constant 0 : index
    %swap3A_181 = arith.constant 6 : index
    %swap3A_182 = arith.constant 0 : index
    %swap3A_183 = vector.load %arg13[%swap3A_180, %swap3A_181, %swap3A_182] : memref<256x8x128xf32, #tpu.memory_space<vmem>>, vector<256x1x128xf32>
    %swap3A_184 = vector.shape_cast %swap3A_183 : vector<256x1x128xf32> to vector<256x128xf32>
    %swap3A_185 = vector.shape_cast %slice3A_179 : vector<256x128xf32> to vector<256x1x128xf32>
    tpu.vector_store %arg13[%swap3A_180, %swap3A_181, %swap3A_182], %swap3A_185 {strides = array<i32>} : memref<256x8x128xf32, #tpu.memory_space<vmem>>, vector<256x1x128xf32>,
    %slice3A_186 = vector.extract_strided_slice %mul3A_95 {offsets = [0, 384], sizes = [256, 128], strides = [1, 1]} : vector<256x512xf32> to vector<256x128xf32>
    %swap3A_187 = arith.constant 0 : index
    %swap3A_188 = arith.constant 7 : index
    %swap3A_189 = arith.constant 0 : index
    %swap3A_190 = vector.load %arg13[%swap3A_187, %swap3A_188, %swap3A_189] : memref<256x8x128xf32, #tpu.memory_space<vmem>>, vector<256x1x128xf32>
    %swap3A_191 = vector.shape_cast %swap3A_190 : vector<256x1x128xf32> to vector<256x128xf32>
    %swap3A_192 = vector.shape_cast %slice3A_186 : vector<256x128xf32> to vector<256x1x128xf32>
    tpu.vector_store %arg13[%swap3A_187, %swap3A_188, %swap3A_189], %swap3A_192 {strides = array<i32>} : memref<256x8x128xf32, #tpu.memory_space<vmem>>, vector<256x1x128xf32>,
    %slice3A_193 = vector.extract_strided_slice %add3A_43 {offsets = [0, 384], sizes = [256, 128], strides = [1, 1]} : vector<256x512xf32> to vector<256x128xf32>
    %swap3A_194 = arith.constant 0 : index
    %swap3A_195 = arith.constant 6 : index
    %swap3A_196 = arith.constant 0 : index
    %swap3A_197 = vector.load %arg14[%swap3A_194, %swap3A_195, %swap3A_196] : memref<256x8x128xf32, #tpu.memory_space<vmem>>, vector<256x1x128xf32>
    %swap3A_198 = vector.shape_cast %swap3A_197 : vector<256x1x128xf32> to vector<256x128xf32>
    %swap3A_199 = vector.shape_cast %slice3A_193 : vector<256x128xf32> to vector<256x1x128xf32>
    tpu.vector_store %arg14[%swap3A_194, %swap3A_195, %swap3A_196], %swap3A_199 {strides = array<i32>} : memref<256x8x128xf32, #tpu.memory_space<vmem>>, vector<256x1x128xf32>,
    %slice3A_200 = vector.extract_strided_slice %add3A_87 {offsets = [0, 384], sizes = [256, 128], strides = [1, 1]} : vector<256x512xf32> to vector<256x128xf32>
    %swap3A_201 = arith.constant 0 : index
    %swap3A_202 = arith.constant 7 : index
    %swap3A_203 = arith.constant 0 : index
    %swap3A_204 = vector.load %arg14[%swap3A_201, %swap3A_202, %swap3A_203] : memref<256x8x128xf32, #tpu.memory_space<vmem>>, vector<256x1x128xf32>
    %swap3A_205 = vector.shape_cast %swap3A_204 : vector<256x1x128xf32> to vector<256x128xf32>
    %swap3A_206 = vector.shape_cast %slice3A_200 : vector<256x128xf32> to vector<256x1x128xf32>
    tpu.vector_store %arg14[%swap3A_201, %swap3A_202, %swap3A_203], %swap3A_206 {strides = array<i32>} : memref<256x8x128xf32, #tpu.memory_space<vmem>>, vector<256x1x128xf32>,
    %get3A_207 = arith.constant 0 : index
    %get3A_208 = arith.constant 0 : index
    %get3A_209 = vector.load %arg8[%get3A_207, %get3A_208] : memref<256x1xi32, #tpu.memory_space<vmem>>, vector<256x1xi32>
    %eq3A = arith.constant 1 : i32
    %eq3A_210 = vector.broadcast %eq3A : i32 to vector<256x1xi32>
    %eq3A_211 = arith.cmpi eq, %get3A_209, %eq3A_210 : vector<256x1xi32>
    %broadcast_in_dim3A = vector.shape_cast %eq3A_211 : vector<256x1xi1> to vector<256x1xi1>
    %broadcast_in_dim3A_212 = vector.broadcast %broadcast_in_dim3A : vector<256x1xi1> to vector<256x512xi1>
    %select_n3A = arith.select %broadcast_in_dim3A_212, %mul3A_95, %get3A_4 : vector<256x512xi1>, vector<256x512xf32>
    %swap3A_213 = arith.constant 0 : index
    %swap3A_214 = arith.constant 0 : index
    %swap3A_215 = vector.load %arg15[%swap3A_213, %swap3A_214] : memref<256x512xf32, #tpu.memory_space<vmem>>, vector<256x512xf32>
    tpu.vector_store %arg15[%swap3A_213, %swap3A_214], %select_n3A {strides = array<i32>} : memref<256x512xf32, #tpu.memory_space<vmem>>, vector<256x512xf32>,
    return
  }
  func.func @transform_0(%arg0: i32) -> (i32, i32) {
    %c0_i32 = arith.constant 0 : i32
    %c0_i32_0 = arith.constant 0 : i32
    %c0_i32_1 = arith.constant 0 : i32
    return %c0_i32, %c0_i32_0 : i32, i32
  }
  func.func @transform_1(%arg0: i32) -> (i32, i32) {
    %c0_i32 = arith.constant 0 : i32
    %c0_i32_0 = arith.constant 0 : i32
    %c0_i32_1 = arith.constant 0 : i32
    return %c0_i32, %c0_i32_0 : i32, i32
  }
  func.func @transform_2(%arg0: i32) -> (i32, i32) {
    %c0_i32 = arith.constant 0 : i32
    %c0_i32_0 = arith.constant 0 : i32
    %c0_i32_1 = arith.constant 0 : i32
    return %c0_i32, %c0_i32_0 : i32, i32
  }
  func.func @transform_3(%arg0: i32) -> (i32, i32) {
    %c0_i32 = arith.constant 0 : i32
    %c0_i32_0 = arith.constant 0 : i32
    %c0_i32_1 = arith.constant 0 : i32
    return %c0_i32, %c0_i32_0 : i32, i32
  }
  func.func @transform_4(%arg0: i32) -> (i32, i32) {
    %c0_i32 = arith.constant 0 : i32
    %c0_i32_0 = arith.constant 0 : i32
    %c0_i32_1 = arith.constant 0 : i32
    return %c0_i32, %c0_i32_0 : i32, i32
  }
  func.func @transform_5(%arg0: i32) -> (i32, i32) {
    %c0_i32 = arith.constant 0 : i32
    %c0_i32_0 = arith.constant 0 : i32
    %c0_i32_1 = arith.constant 0 : i32
    return %c0_i32, %c0_i32_0 : i32, i32
  }
  func.func @transform_6(%arg0: i32) -> (i32, i32) {
    %c0_i32 = arith.constant 0 : i32
    %c0_i32_0 = arith.constant 0 : i32
    return %arg0, %c0_i32 : i32, i32
  }
  func.func @transform_7(%arg0: i32) -> (i32, i32) {
    %c0_i32 = arith.constant 0 : i32
    %c0_i32_0 = arith.constant 0 : i32
    return %arg0, %c0_i32 : i32, i32
  }
  func.func @transform_8(%arg0: i32) -> (i32, i32) {
    %c0_i32 = arith.constant 0 : i32
    %c0_i32_0 = arith.constant 0 : i32
    return %arg0, %c0_i32 : i32, i32
  }
  func.func @transform_9(%arg0: i32) -> (i32, i32) {
    %c0_i32 = arith.constant 0 : i32
    %c0_i32_0 = arith.constant 0 : i32
    return %arg0, %c0_i32 : i32, i32
  }
  func.func @transform_10(%arg0: i32) -> (i32, i32) {
    %c0_i32 = arith.constant 0 : i32
    %c0_i32_0 = arith.constant 0 : i32
    return %arg0, %c0_i32 : i32, i32
  }
  func.func @transform_11(%arg0: i32) -> (i32, i32) {
    %c0_i32 = arith.constant 0 : i32
    %c0_i32_0 = arith.constant 0 : i32
    return %arg0, %c0_i32 : i32, i32
  }
  func.func @transform_12(%arg0: i32) -> (i32, i32, i32) {
    %c0_i32 = arith.constant 0 : i32
    %c0_i32_0 = arith.constant 0 : i32
    %c0_i32_1 = arith.constant 0 : i32
    return %arg0, %c0_i32, %c0_i32_0 : i32, i32, i32
  }
  func.func @transform_13(%arg0: i32) -> (i32, i32, i32) {
    %c0_i32 = arith.constant 0 : i32
    %c0_i32_0 = arith.constant 0 : i32
    %c0_i32_1 = arith.constant 0 : i32
    return %arg0, %c0_i32, %c0_i32_0 : i32, i32, i32
  }
  func.func @transform_14(%arg0: i32) -> (i32, i32) {
    %c0_i32 = arith.constant 0 : i32
    %c0_i32_0 = arith.constant 0 : i32
    return %arg0, %c0_i32 : i32, i32
  }
}

</mosaic_0001>

<sc_bundles>
// kernel: kernel.4.cloned.1.call-start
scs
__scs_entry_jumppad:
0x0: {  	(pc) =	sbr.rel $0x88, $3  }
0x1: {  	(tag) =	ssettag $0x0;
	lr =	simm.s32 $0x1  }
0x2: {  	[smem:$0x3F96] =	sst lr;
	_ =	strace $0xD0000000  }
0x3: {  	_ = 	snop  }
0x4: {  	_ = 	snop  }
0x5: {  	_ = 	snop  }
0x6: {  	_ = 	snop  }
0x7: {  	_ = 	snop  }
__scs_overlays_trampoline_lowered:
0x8: {  	[smem:$0x3FA5] =	sst s0  }
0x9: {  	[smem:$0x3FA6] =	sst s1  }
0xa: {  	[smem:$0x3FA7] =	sst s2  }
0xb: {  	[smem:$0x3FA8] =	sst s3  }
0xc: {  	[smem:$0x3FA9] =	sst s4  }
0xd: {  	[smem:$0x3FAA] =	sst s5  }
0xe: {  	[smem:$0x3FAB] =	sst s6  }
0xf: {  	[smem:$0x3FAC] =	sst s7  }
0x10: {  	[smem:$0x3FAD] =	sst s8  }
0x11: {  	[smem:$0x3FAE] =	sst s9;
	s0 =	simm.s32 @!p0 $0x0  }
0x12: {  	s1 =	sld [smem:$0x3F94];
	s0 =	simm.s32 @p0 $0x1  }
0x13: {  	[smem:$0x3FAF] =	sst s0;
	s0 =	simm.s32 @!p1 $0x0  }
0x14: {  	s2 =	sld [smem:$0x3F93];
	s0 =	simm.s32 @p1 $0x1  }
0x15: {  	[smem:$0x3FB0] =	sst s0;
	s0 =	simm.s32 @!p2 $0x0  }
0x16: {  	s3 =	sld [smem:$0x3FDB];
	s0 =	simm.s32 @p2 $0x1  }
0x17: {  	s4 =	simm.s32 $0x1BF5;
	[smem:$0x3FB2] =	sst s0  }
0x18: {  	s0 =	sld [smem:$0x3F95];
	_ =	swait.ge [sflag:s4], $0x0  }
0x19: {  	s7 =	sld [smem:$0x3F96]  }
0x1a: {  	s8 =	sadd.s32 $0xFFFFE003, lr  }
0x1b: {  	s9 =	sadd.s32 $0xFFFFFEF7, lr;
	s5 =	simm.s32 $0xFFFFFFFF;
	p2 =	slt.u32 s8, $0xFFFFF086  }
0x1c: {  	p1 =	slt.u32 s9, $0xF7A;
	s5 =	simm.s32 @!p2 $0x0  }
0x1d: {  	s5 =	simm.s32 @p1 $0x1;
	p0 =	seq.s32 s7, s2  }
0x1e: {  	s7 =	smul.u32 @!p0 $0xF7A, s2;
	p2 =	seq.s32 @!p0 s5, $0x0  }
0x1f: {  	s9 =	smul.u32 $0xF7A, s1;
	s8 =	simm.s32 @!p0 $0x1BF5;
	p2 =	por !p2, p0  }
0x20: {  	[sflag:s8] =	ssyncset.s32 @!p0 $0xFFFFF086;
	s6 =	sadd.s32 @!p0 s3, s7;
	s7 =	simm.s32 @!p0 $0x108  }
0x21: {  	s3 =	sadd.s32 s3, s9;
	s6 =	sadd.s32 @!p0 $0x88, s6;
	s7 =	simm.s32 @p2 $0x1082  }
0x22: {  	[simem:s7], [sflag:s8] =	dma.local @!p0 [hbm:s6], $0xF7A  }
0x23: {  	s9 =	sor.u32 $0xD0000000, s2;
	s6 =	simm.s32 $0x108;
	_ =	swait.ge @!p0 [sflag:s8], $0x0  }
0x24: {  	s3 =	sadd.s32 $0x88, s3;
	s6 =	simm.s32 @!p1 $0x1082;
	[sflag:s4] =	ssyncset.s32 $0xFFFFF086  }
0x25: {  	[simem:s6], [sflag:s4] =	dma.local [hbm:s3], $0xF7A  }
0x26: {  	[smem:$0x3F96] =	sst s1;
	(tag) =	ssettag s2;
	_ =	strace s9  }
0x27: {  	s1 =	sld [smem:$0x3FA6]  }
0x28: {  	s2 =	sld [smem:$0x3FA7]  }
0x29: {  	s4 =	sld [smem:$0x3FA9]  }
0x2a: {  	p0 =	seq.s32 s5, $0x0;
	s5 =	sld [smem:$0x3FAA]  }
0x2b: {  	s6 =	sld [smem:$0x3FAB]  }
0x2c: {  	s7 =	sld [smem:$0x3FAC]  }
0x2d: {  	s3 =	simm.s32 $0x108;
	s8 =	sld [smem:$0x3FAD]  }
0x2e: {  	s3 =	simm.s32 @!p0 $0x1082;
	s9 =	sld [smem:$0x3FAE]  }
0x2f: {  	lr =	sadd.s32 s0, s3;
	s0 =	sld [smem:$0x3FA5]  }
0x30: {  	s3 =	sld [smem:$0x3FA8]  }
0x31: {  	[smem:$0x3FB1] =	sst s10  }
0x32: {  	s10 =	sld [smem:$0x3FAF];
	_ =	sdelay $0x3  }
0x33: {  	p0 =	seq.s32 s10, $0x1;
	s10 =	sld [smem:$0x3FB1];
	_ =	sdelay $0x3  }
0x34: {  	[smem:$0x3FB1] =	sst s10  }
0x35: {  	s10 =	sld [smem:$0x3FB0];
	_ =	sdelay $0x3  }
0x36: {  	p1 =	seq.s32 s10, $0x1;
	s10 =	sld [smem:$0x3FB1];
	_ =	sdelay $0x3  }
0x37: {  	[smem:$0x3FB1] =	sst s10  }
0x38: {  	s10 =	sld [smem:$0x3FB2]  }
0x39: {  	_ = 	snop;
	(pc) =	sbr.ind lr, $3  }
0x3a: {  	_ = 	snop  }
0x3b: {  	_ = 	snop  }
0x3c: {  	p2 =	seq.s32 s10, $0x1;
	s10 =	sld [smem:$0x3FB1]  }
0x3d: {  	_ =	shalt  }
0x3e: {  	_ =	shalt  }
0x3f: {  	_ =	shalt  }
0x40: {  	_ =	shalt  }
0x41: {  	_ =	shalt  }
0x42: {  	_ =	shalt  }
0x43: {  	_ =	shalt  }
0x44: {  	_ =	shalt  }
0x45: {  	_ =	shalt  }
0x46: {  	_ =	shalt  }
0x47: {  	_ =	shalt  }
0x48: {  	_ =	shalt  }
0x49: {  	_ =	shalt  }
0x4a: {  	_ =	shalt  }
0x4b: {  	_ =	shalt  }
0x4c: {  	_ =	shalt  }
0x4d: {  	_ =	shalt  }
0x4e: {  	_ =	shalt  }
0x4f: {  	_ =	shalt  }
0x50: {  	_ =	shalt  }
0x51: {  	_ =	shalt  }
0x52: {  	_ =	shalt  }
0x53: {  	_ =	shalt  }
0x54: {  	_ =	shalt  }
0x55: {  	_ =	shalt  }
0x56: {  	_ =	shalt  }
0x57: {  	_ =	shalt  }
0x58: {  	_ =	shalt  }
0x59: {  	_ =	shalt  }
0x5a: {  	_ =	shalt  }
0x5b: {  	_ =	shalt  }
0x5c: {  	_ =	shalt  }
0x5d: {  	_ =	shalt  }
0x5e: {  	_ =	shalt  }
0x5f: {  	_ =	shalt  }
0x60: {  	_ =	shalt  }
0x61: {  	_ =	shalt  }
0x62: {  	_ =	shalt  }
0x63: {  	_ =	shalt  }
0x64: {  	_ =	shalt  }
0x65: {  	_ =	shalt  }
0x66: {  	_ =	shalt  }
0x67: {  	_ =	shalt  }
0x68: {  	_ =	shalt  }
0x69: {  	_ =	shalt  }
0x6a: {  	_ =	shalt  }
0x6b: {  	_ =	shalt  }
0x6c: {  	_ =	shalt  }
0x6d: {  	_ =	shalt  }
0x6e: {  	_ =	shalt  }
0x6f: {  	_ =	shalt  }
0x70: {  	_ =	shalt  }
0x71: {  	_ =	shalt  }
0x72: {  	_ =	shalt  }
0x73: {  	_ =	shalt  }
0x74: {  	_ =	shalt  }
0x75: {  	_ =	shalt  }
0x76: {  	_ =	shalt  }
0x77: {  	_ =	shalt  }
0x78: {  	_ =	shalt  }
0x79: {  	_ =	shalt  }
0x7a: {  	_ =	shalt  }
0x7b: {  	_ =	shalt  }
0x7c: {  	_ =	shalt  }
0x7d: {  	_ =	shalt  }
0x7e: {  	_ =	shalt  }
0x7f: {  	_ =	shalt  }
0x80: {  	_ =	shalt  }
0x81: {  	_ =	shalt  }
0x82: {  	_ =	shalt  }
0x83: {  	_ =	shalt  }
0x84: {  	_ =	shalt  }
0x85: {  	_ =	shalt  }
0x86: {  	_ =	shalt  }
0x87: {  	_ =	shalt  }
.Lfunc_end0:
.L_simem_size_0:
called_computation_lowered:
.L_overlay_start_0:
0x88: {  	s2 =	sld [smem:$0x3FD9]  }
0x89: {  	s3 =	sld [smem:$0x3FFE];
	_ =	sdelay $0x1  }
0x8a: {  	s1 =	srdreg.scid  }
0x8b: {  	s0 =	sand.u32 $0x1, s1  }
0x8c: {  	s14 =	sshll.u32 s0, $0xA;
	s2 =	sadd.s32 s3, s2  }
0x8d: {  	s2 =	sadd.s32 s2, s14  }
0x8e: {  	[smem:$0x3FBD] =	sst s2  }
0x8f: {  	_ = 	snop  }
0x90: {  	s2 =	sld [smem:$0x3FD0]  }
0x91: {  	s15 =	sld [smem:$0x3FC8]  }
0x92: {  	s4 =	sld [smem:$0x3FC7]  }
0x93: {  	s6 =	simm.s32 $0xA;
	s7 =	simm.s32 $0x10;
	s5 =	sld [smem:$0x3FC0]  }
0x94: {  	[smem:s7], [sflag:s6] =	dma.local [hbm:s2], $0x1  }
0x95: {  	_ =	swait.eq [sflag:s6], $0x1  }
0x96: {  	s16 =	sld [smem:$0x10];
	[sflag:s6] =	ssyncset.done $0x0  }
0x97: {  	s17 =	sld [smem:$0x11];
	[sflag:s6] =	ssyncadd.s32 $0xFFFFFFFF  }
0x98: {  	s18 =	sld [smem:$0x12];
	(tm) =	ssettm $0x1  }
0x99: {  	s8 =	sld [smem:$0x3FFB];
	_ =	sdelay $0x3  }
0x9a: {  	_ =	strace s8  }
0x9b: {  	s8 =	sld [smem:$0x3FFC];
	_ =	sdelay $0x3  }
0x9c: {  	_ =	strace s8  }
0x9d: {  	s8 =	sld [smem:$0x3FFD];
	_ =	sdelay $0x3  }
0x9e: {  	_ =	strace s8  }
0x9f: {  	_ =	strace $0x8FFFFFFF  }
0xa0: {  	s19 =	sld [smem:$0x3FDB];
	_ =	sdelay $0x1  }
0xa1: {  	s9 =	simm.s32 $_scs_section_size  }
0xa2: {  	s10 =	simm.s32 $_size__tile_overlayer_lowered;
	s11 =	simm.s32 $_tile_overlayer_lowered  }
0xa3: {  	s22 =	simm.s32 $0x1BFF;
	s21 =	sshll.u32 s11, $0x1;
	s8 =	sadd.s32 s9, s19  }
0xa4: {  	s12 =	simm.s32 $0x0;
	s20 =	sshll.u32 s10, $0x1;
	s10 =	sadd.s32 s21, s8  }
0xa5: {  	[timem:s12], [sflag:s22] =	dma.local [hbm:s10], s20  }
0xa6: {  	_ =	swait.ge [sflag:s22], s20  }
0xa7: {  	s9 =	ssub.s32 $0x0, s20;
	[sflag:s22] =	ssyncset.done $0x0  }
0xa8: {  	[sflag:s22] =	ssyncadd.s32 s9;
	_ =	sdelay $0x1  }
0xa9: {  	s23 =	simm.s32 $0x1B8B  }
0xaa: {  	_ =	swait.ge [sflag:s23], $0x1  }
0xab: {  	[sflag:s23] =	ssyncset.done $0x0  }
0xac: {  	s25 =	simm.s32 $0x1B8E;
	s24 =	sld [smem:$0x3FFE];
	[sflag:s23] =	ssyncadd.s32 $0xFFFFFFFF  }
0xad: {  	s26 =	simm.s32 $execute0_lowered;
	[smem:$0x3FD2] =	sst s25  }
0xae: {  	s10 =	sshll.u32 s26, $0x1;
	_ =	strace $0x80000046;
	[dreg:$0x1] =	wrdreg $0xFFFFFFFF  }
0xaf: {  	s28 =	simm.s32 $_size_execute0_lowered;
	s8 =	sadd.s32 s8, s10;
	[dreg:$0x0] =	wrdreg $0x0  }
0xb0: {  	s10 =	sshll.u32 s28, $0x1;
	[dreg:$0x2] =	wrdreg s8  }
0xb1: {  	[dreg:$0x3] =	wrdreg s10  }
0xb2: {  	[dreg:$0x4] =	wrdreg $0xC0  }
0xb3: {  	_ =	task [dreg:s12], $0x5FFFF  }
0xb4: {  	[dreg:$0x1] =	wrdreg $0xFFFFFFFF  }
0xb5: {  	[dreg:$0x0] =	wrdreg $0x60  }
0xb6: {  	[dreg:$0x2] =	wrdreg s15  }
0xb7: {  	[dreg:$0x3] =	wrdreg s4  }
0xb8: {  	[dreg:$0x4] =	wrdreg s5  }
0xb9: {  	[dreg:$0x5] =	wrdreg s16  }
0xba: {  	[dreg:$0x6] =	wrdreg s18  }
0xbb: {  	[dreg:$0x7] =	wrdreg s17  }
0xbc: {  	[dreg:$0x8] =	wrdreg s24  }
0xbd: {  	[dreg:$0x9] =	wrdreg $0x9  }
0xbe: {  	_ =	task.clear_ibuf [dreg:s12], $0xAFFFF;
	_ =	strace $0x90000046  }
0xbf: {  	s29 =	simm.s32 $0x9;
	_ =	strace $0x80000048  }
0xc0: {  	_ =	swait.ge [sflag:s29], $0x1  }
0xc1: {  	[sflag:s29] =	ssyncadd.s32 $0xFFFFFFFF  }
0xc2: {  	_ =	strace $0x90000048  }
0xc3: {  	_ =	sfence  }
0xc4: {  	s30 =	sld [smem:$0x0];
	_ =	sdelay $0x2  }
0xc5: {  	s31 =	sshll.u32 s1, $0xD;
	s1 =	sshrl.u32 s1, $0x2  }
0xc6: {  	s3 =	sand.u32 $0x4000, s31;
	s1 =	sadd.s32 s1, s30  }
0xc7: {  	s0 =	sor.u32 s3, s0;
	s1 =	sshll.u32 s1, $0x11  }
0xc8: {  	s0 =	sor.u32 s1, s0  }
0xc9: {  	s0 =	sadd.s32 $0x8F2B, s0  }
0xca: {  	[sflag:s0] =	ssyncadd.remote.s32 $0x1  }
0xcb: {  	_ =	sfence.sel $0xFFFF  }
0xcc: {  	[dreg:$0x0] =	wrdreg $0xFFFFFFFF;
	(pc) =	sbr.abs _section_cstart, $3  }
0xcd: {  	[dreg:$0x1] =	wrdreg $0xFFFFFFFF  }
0xce: {  	_ =	task.clear_ibuf [dreg:s12], $0x2FFFF;
	_ =	strace $0x9FFFFFFF  }
0xcf: {  	(tm) =	ssettm $0x7FFFFFFF  }
tec
execute0_lowered:
.L_overlay_start_1:
0x0: {  	(tag) =	ssettag $0x1  }
0x1: {  	s3 =	rddreg [dreg:$0x0]  }
0x2: {  	s4 =	rddreg [dreg:$0x1]  }
0x3: {  	s8 =	rddreg [dreg:$0x2]  }
0x4: {  	s6 =	rddreg [dreg:$0x3]  }
0x5: {  	s5 =	rddreg [dreg:$0x4]  }
0x6: {  	s7 =	rddreg [dreg:$0x5]  }
0x7: {  	s1 =	srdreg.scid;
	s0 =	stileid.u32  }
0x8: {  	s9 =	rddreg [dreg:$0x6];
	s10 =	sand.u32 $0x1, s1;
	s11 =	sshll.u32 s0, $0x1  }
0x9: {  	s2 =	simm.s32 $0x0;
	v9 =	vlaneseq.u32;
	s1 =	rddreg [dreg:$0x7];
	s11 =	sor.u32 s10, s11  }
0xa: {  	s21 =	simm.s32 $0x6;
	[smem:$0x7FF] =	sst s2;
	v3 =	vshrl.u32 v9, $0x3;
	s13 =	sshll.u32 s11, $0x2  }
0xb: {  	_ =	strace $0x80000047;
	v4 =	vmul.u32 $0x2, v3;
	s12 =	sshll.u32 s11, $0x5;
	s17 =	sadd.s32 s8, s13  }
0xc: {  	v0 =	vand.u32 $0x7, v9;
	v9 =	vor.u32 $0x8, v9;
	[tilespmem:s2], [sflag:$0x6] =	stream.linear.gather [hbm4b:s17+s2], $0x20, $0x38;
	[tilespmem:$0x10180] =	vst v63  }
0xd: {  	v2 =	vmul.u32 $0x8, v0;
	v1 =	vmov s12;
	s25 =	sor.u32 $0x8, s12;
	v11 =	vor.u32 $0x4, v4;
	_ =	swait.ge [sflag:s21], $0x20  }
0xe: {  	s26 =	sor.u32 $0x10, s12;
	s28 =	sor.u32 $0x18, s12;
	v21 =	vor.u32 $0x1, v4;
	v24 =	vor.u32 $0x5, v4;
	v1 =	vshll.u32 v1, $0x3;
	[sflag:s21] =	ssyncset.done $0x0  }
0xf: {  	v3 =	vmov s25;
	v5 =	vmov s26;
	v6 =	vmov s28;
	[sflag:s21] =	ssyncadd.s32 $0xFFFFFFE0  }
0x10: {  	v10 =	vor.u32 v2, v1;
	v3 =	vshll.u32 v3, $0x3;
	v5 =	vshll.u32 v5, $0x3;
	v15 =	vld [tilespmem:$0x0]  }
0x11: {  	s29 =	ssub.s32 $0x2, s10;
	v1 =	vor.u32 v4, v10;
	v7 =	vor.u32 v11, v10;
	v12 =	vor.u32 v2, v3;
	v19 =	vld [tilespmem:$0x0]  }
0x12: {  	s31 =	sshrl.u32 s29, $0x1;
	v17 =	vor.u32 v2, v5;
	v5 =	vshll.u32 v6, $0x3;
	v13 =	vor.u32 v21, v10;
	v22 =	vld [tilespmem:$0x0]  }
0x13: {  	s30 =	sshll.u32 s11, $0xB;
	s11 =	ssub.s32 s29, s31;
	v14 =	vor.u32 v24, v10;
	v3 =	vor.u32 v4, v12;
	v6 =	vor.u32 v11, v12;
	v26 =	vld [tilespmem:$0x10]  }
0x14: {  	s14 =	simm.s32 $0x180;
	s22 =	smax.u32 s11, $0x1;
	v8 =	vor.u32 v4, v17;
	v20 =	vor.u32 v2, v5;
	v2 =	vor.u32 v11, v17;
	v27 =	vld [tilespmem:$0x10]  }
0x15: {  	s15 =	simm.s32 $0x100;
	s18 =	simm.s32 $0x1;
	p0 =	sne.s32 s22, $0x1;
	v16 =	vor.u32 v24, v12;
	v10 =	vor.u32 v24, v17;
	v5 =	vor.u32 v4, v20  }
.Ltmp0:
0x16: {  	s20 =	simm.s32 $0x2;
	s16 =	simm.s32 $0x3;
	v11 =	vor.u32 v11, v20;
	v4 =	vor.u32 v21, v12;
	v18 =	vld [tilespmem:$0x10];
	v12 =	vperm.xlane v15, v0;
	(pc) =	sbr.rel @!p0 .LBB2_2-.Ltmp0, $4  }
0x17: {  	s19 =	simm.s32 $0x4;
	s10 =	simm.s32 $0x5;
	s9 =	sadd.s32 s30, s9;
	v23 =	vld [tilespmem:$0x0];
	v19 =	vperm.xlane v19, v9;
	v15 =	vor.u32 v21, v17;
	v17 =	vor.u32 v21, v20  }
0x18: {  	s8 =	sadd.s32 s6, s30;
	s7 =	sadd.s32 s7, s30;
	s5 =	sadd.s32 s5, s30;
	v21 =	vld [tilespmem:$0x10];
	v28 =	vperm.xlane v22, v0;
	v26 =	vperm.xlane v26, v9;
	v25 =	vshll.u32 v12, $0xD  }
0x19: {  	s12 =	simm.s32 $0x80;
	s13 =	simm.s32 $0x8180;
	s6 =	sadd.s32 $0x1E00, s9;
	v22 =	vld [tilespmem:$0x0];
	v19 =	vshll.u32 v19, $0xD;
	v12 =	vor.u32 v24, v20;
	v24 =	vperm.xlane v27, v0  }
0x1a: {  	s11 =	simm.s32 $0x4180;
	s9 =	simm.s32 $0xC180;
	s22 =	sadd.s32 $0xFFFFFFFF, s22;
	v27 =	vshll.u32 v28, $0xD;
	v20 =	vadd.s32 v14, v25;
	v25 =	vadd.s32 v16, v19;
	v19 =	vld [tilespmem:$0x0]  }
.LBB2_1:
0x1b: {  	p0 =	sne.s32 s22, $0x1;
	s22 =	sadd.s32 $0xFFFFFFFF, s22;
	v27 =	vadd.s32 v13, v27;
	[tilespmem:$0x130] =	vst v25;
	v24 =	vshll.u32 v24, $0xD;
	v25 =	vshll.u32 v26, $0xD;
	v26 =	vld [tilespmem:$0x10]  }
0x1c: {  	v23 =	vperm.xlane v23, v0;
	v28 =	vld [tilespmem:$0x10];
	[tilespmem:$0x100] =	vst v27;
	v24 =	vadd.s32 v15, v24;
	v25 =	vadd.s32 v17, v25  }
0x1d: {  	v18 =	vperm.xlane v18, v0;
	v21 =	vperm.xlane v21, v9;
	v27 =	vld [tilespmem:$0x10];
	[tilespmem:$0x160] =	vst v25  }
0x1e: {  	v23 =	vshll.u32 v23, $0xD;
	v22 =	vperm.xlane v22, v9;
	[tilespmem:$0x110] =	vst v20;
	v20 =	vld [tilespmem:$0x0]  }
0x1f: {  	v18 =	vshll.u32 v18, $0xD;
	v23 =	vadd.s32 v7, v23;
	v25 =	vld [tilespmem:$0x10];
	v21 =	vshll.u32 v21, $0xD;
	[tilespmem:$0x140] =	vst v24  }
0x20: {  	v18 =	vadd.s32 v8, v18;
	v24 =	vld [tilespmem:$0x0];
	[tilespmem:$0x90] =	vst v23;
	v21 =	vadd.s32 v11, v21;
	v23 =	vperm.xlane v26, v9  }
0x21: {  	v19 =	vperm.xlane v19, v9;
	v22 =	vshll.u32 v22, $0xD;
	v26 =	vperm.xlane v28, v9;
	[tilespmem:$0xF0] =	vst v21  }
0x22: {  	v21 =	vadd.s32 v6, v22;
	[tilespmem:$0xC0] =	vst v18;
	v18 =	vperm.xlane v27, v0;
	v22 =	vshll.u32 v23, $0xD  }
0x23: {  	v19 =	vshll.u32 v19, $0xD;
	[tilespmem:$0xB0] =	vst v21;
	v21 =	vshll.u32 v26, $0xD;
	v22 =	vadd.s32 v12, v22  }
0x24: {  	v19 =	vadd.s32 v3, v19;
	v23 =	vperm.xlane v25, v0;
	v21 =	vadd.s32 v5, v21;
	[tilespmem:$0x170] =	vst v22  }
0x25: {  	v18 =	vshll.u32 v18, $0xD;
	v22 =	vperm.xlane v24, v0;
	[tilespmem:$0xA0] =	vst v19;
	v19 =	vperm.xlane v20, v9  }
0x26: {  	v18 =	vadd.s32 v10, v18;
	v20 =	vshll.u32 v23, $0xD;
	[tilespmem:$0xE0] =	vst v21  }
0x27: {  	v21 =	vshll.u32 v22, $0xD;
	v20 =	vadd.s32 v2, v20;
	v19 =	vshll.u32 v19, $0xD;
	[tilespmem:$0x150] =	vst v18  }
0x28: {  	v18 =	vadd.s32 v1, v21;
	[tilespmem:$0xD0] =	vst v20;
	v19 =	vadd.s32 v4, v19  }
0x29: {  	[tilespmem:$0x120] =	vst v19  }
0x2a: {  	[tilespmem:$0x80] =	vst v18  }
0x2b: {  	[tilespmem:s14], [sflag:$0x1] =	stream.indirect.gather [hbm4b:s3+s12], $0x80, s12, s12, $0xb8;
	[tilespmem:$0x10180] =	vst v63  }
0x2c: {  	_ = 	snop  }
0x2d: {  	[tilespmem:s13], [sflag:$0x2] =	stream.indirect.gather [hbm4b:s4+s12], $0x80, s12, s12, $0xb8;
	[tilespmem:$0x10180] =	vst v63  }
0x2e: {  	_ = 	snop  }
0x2f: {  	[tilespmem:s11], [sflag:$0x3] =	stream.indirect.gather [hbm4b:s3+s12], $0x80, s15, s12, $0xb8;
	[tilespmem:$0x10180] =	vst v63  }
0x30: {  	_ = 	snop  }
0x31: {  	[tilespmem:s9], [sflag:$0x4] =	stream.indirect.gather [hbm4b:s4+s12], $0x80, s15, s12, $0xb8;
	[tilespmem:$0x10180] =	vst v63  }
0x32: {  	_ =	swait.ge [sflag:s18], $0x4000  }
0x33: {  	[sflag:s18] =	ssyncset.done $0x0  }
0x34: {  	[sflag:s18] =	ssyncadd.s32 $0xFFFFC000  }
0x35: {  	[hbm4b:s8+s2] =	stream.linear.scatter [tilespmem:s14], [sflag:$0x5], $0x4000, $0x38;
	[tilespmem:$0x10180] =	vst v63  }
0x36: {  	_ =	swait.ge [sflag:s20], $0x4000  }
0x37: {  	[sflag:s20] =	ssyncset.done $0x0  }
0x38: {  	[sflag:s20] =	ssyncadd.s32 $0xFFFFC000  }
0x39: {  	[hbm4b:s7+s2] =	stream.linear.scatter [tilespmem:s13], [sflag:$0x5], $0x4000, $0x38;
	[tilespmem:$0x10180] =	vst v63  }
0x3a: {  	_ =	swait.ge [sflag:s16], $0x4000  }
0x3b: {  	[sflag:s16] =	ssyncset.done $0x0  }
0x3c: {  	[sflag:s16] =	ssyncadd.s32 $0xFFFFC000  }
0x3d: {  	[hbm4b:s5+s2] =	stream.linear.scatter [tilespmem:s11], [sflag:$0x5], $0x4000, $0x38;
	[tilespmem:$0x10180] =	vst v63  }
0x3e: {  	_ =	swait.ge [sflag:s19], $0x4000  }
0x3f: {  	[sflag:s19] =	ssyncset.done $0x0  }
0x40: {  	[sflag:s19] =	ssyncadd.s32 $0xFFFFC000  }
0x41: {  	[hbm4b:s6+s2] =	stream.linear.scatter [tilespmem:s9], [sflag:$0x5], $0x4000, $0x38;
	[tilespmem:$0x10180] =	vst v63  }
0x42: {  	_ =	swait.ge [sflag:s10], $0x4000  }
0x43: {  	[sflag:s10] =	ssyncset.done $0x0  }
0x44: {  	[sflag:s10] =	ssyncadd.s32 $0xFFFFC000  }
0x45: {  	_ =	swait.ge [sflag:s10], $0x4000  }
0x46: {  	[sflag:s10] =	ssyncset.done $0x0  }
0x47: {  	[sflag:s10] =	ssyncadd.s32 $0xFFFFC000  }
0x48: {  	_ =	swait.ge [sflag:s10], $0x4000  }
0x49: {  	[sflag:s10] =	ssyncset.done $0x0  }
0x4a: {  	[sflag:s10] =	ssyncadd.s32 $0xFFFFC000  }
0x4b: {  	_ =	swait.ge [sflag:s10], $0x4000  }
0x4c: {  	[sflag:s10] =	ssyncset.done $0x0  }
0x4d: {  	[sflag:s10] =	ssyncadd.s32 $0xFFFFC000  }
0x4e: {  	[tilespmem:s2], [sflag:$0x6] =	stream.linear.gather [hbm4b:s17+s2], $0x20, $0x38;
	[tilespmem:$0x10180] =	vst v63  }
0x4f: {  	_ =	swait.ge [sflag:s21], $0x20  }
0x50: {  	[sflag:s21] =	ssyncset.done $0x0  }
0x51: {  	[sflag:s21] =	ssyncadd.s32 $0xFFFFFFE0  }
0x52: {  	v18 =	vld [tilespmem:$0x0]  }
0x53: {  	v19 =	vld [tilespmem:$0x0]  }
0x54: {  	v26 =	vld [tilespmem:$0x10]  }
0x55: {  	v20 =	vld [tilespmem:$0x0]  }
0x56: {  	v24 =	vld [tilespmem:$0x10]  }
0x57: {  	v21 =	vperm.xlane v18, v0  }
.Ltmp1:
0x58: {  	v18 =	vld [tilespmem:$0x10];
	v19 =	vperm.xlane v19, v9;
	(pc) =	sbr.rel @p0 .LBB2_1-.Ltmp1, $4  }
0x59: {  	v23 =	vld [tilespmem:$0x0];
	v22 =	vshll.u32 v21, $0xD  }
0x5a: {  	v21 =	vld [tilespmem:$0x10];
	v27 =	vperm.xlane v20, v0;
	v20 =	vadd.s32 v14, v22;
	v19 =	vshll.u32 v19, $0xD  }
0x5b: {  	v26 =	vperm.xlane v26, v9;
	v22 =	vld [tilespmem:$0x0];
	v25 =	vadd.s32 v16, v19;
	v24 =	vperm.xlane v24, v0  }
0x5c: {  	v19 =	vld [tilespmem:$0x0];
	v27 =	vshll.u32 v27, $0xD  }
.LBB2_2:
0x5d: {  	[tilespmem:$0x130] =	vst v25  }
0x5e: {  	v13 =	vadd.s32 v13, v27;
	v14 =	vshll.u32 v26, $0xD;
	v16 =	vld [tilespmem:$0x10];
	v42 =	vperm.xlane v18, v0;
	[tilespmem:$0x110] =	vst v20  }
0x5f: {  	v39 =	vshll.u32 v24, $0xD;
	v40 =	vld [tilespmem:$0x10];
	v23 =	vperm.xlane v23, v0;
	[tilespmem:$0x100] =	vst v13;
	v38 =	vadd.s32 v17, v14  }
0x60: {  	v43 =	vld [tilespmem:$0x10];
	v41 =	vadd.s32 v15, v39;
	v21 =	vperm.xlane v21, v9;
	[tilespmem:$0x160] =	vst v38;
	v14 =	vshll.u32 v42, $0xD  }
0x61: {  	v46 =	vld [tilespmem:$0x10];
	[tilespmem:$0x140] =	vst v41;
	v44 =	vshll.u32 v23, $0xD;
	v45 =	vperm.xlane v22, v9;
	v8 =	vadd.s32 v8, v14  }
0x62: {  	v50 =	vld [tilespmem:$0x0];
	v7 =	vadd.s32 v7, v44;
	v21 =	vshll.u32 v21, $0xD;
	v51 =	vperm.xlane v19, v9;
	[tilespmem:$0xC0] =	vst v8  }
0x63: {  	v47 =	vld [tilespmem:$0x0];
	[tilespmem:$0x90] =	vst v7;
	v48 =	vadd.s32 v11, v21;
	v49 =	vperm.xlane v16, v9;
	v52 =	vshll.u32 v45, $0xD  }
0x64: {  	v53 =	vperm.xlane v40, v9;
	[tilespmem:$0xF0] =	vst v48;
	v6 =	vadd.s32 v6, v52;
	v14 =	vshll.u32 v51, $0xD  }
0x65: {  	v55 =	vperm.xlane v43, v0;
	v54 =	vshll.u32 v49, $0xD;
	[tilespmem:$0xB0] =	vst v6;
	v3 =	vadd.s32 v3, v14  }
0x66: {  	v57 =	vperm.xlane v46, v0;
	v7 =	vshll.u32 v53, $0xD;
	v56 =	vadd.s32 v12, v54;
	[tilespmem:$0xA0] =	vst v3  }
0x67: {  	v60 =	vperm.xlane v50, v0;
	v59 =	vshll.u32 v55, $0xD;
	v5 =	vadd.s32 v5, v7;
	[tilespmem:$0x170] =	vst v56  }
0x68: {  	v58 =	vperm.xlane v47, v9;
	v61 =	vshll.u32 v57, $0xD;
	v62 =	vadd.s32 v10, v59;
	[tilespmem:$0xE0] =	vst v5  }
0x69: {  	v0 =	vshll.u32 v60, $0xD;
	v2 =	vadd.s32 v2, v61;
	[tilespmem:$0x150] =	vst v62  }
0x6a: {  	v3 =	vshll.u32 v58, $0xD;
	v0 =	vadd.s32 v1, v0;
	[tilespmem:$0xD0] =	vst v2  }
0x6b: {  	v63 =	vadd.s32 v4, v3;
	[tilespmem:$0x80] =	vst v0  }
0x6c: {  	[tilespmem:$0x120] =	vst v63  }
0x6d: {  	[tilespmem:s14], [sflag:$0x1] =	stream.indirect.gather [hbm4b:s3+s12], $0x80, s12, s12, $0xb8;
	[tilespmem:$0x10180] =	vst v63  }
0x6e: {  	_ = 	snop  }
0x6f: {  	[tilespmem:s13], [sflag:$0x2] =	stream.indirect.gather [hbm4b:s4+s12], $0x80, s12, s12, $0xb8;
	[tilespmem:$0x10180] =	vst v63  }
0x70: {  	_ = 	snop  }
0x71: {  	[tilespmem:s11], [sflag:$0x3] =	stream.indirect.gather [hbm4b:s3+s12], $0x80, s15, s12, $0xb8;
	[tilespmem:$0x10180] =	vst v63  }
0x72: {  	_ = 	snop  }
0x73: {  	[tilespmem:s9], [sflag:$0x4] =	stream.indirect.gather [hbm4b:s4+s12], $0x80, s15, s12, $0xb8;
	[tilespmem:$0x10180] =	vst v63  }
0x74: {  	_ =	swait.ge [sflag:s18], $0x4000  }
0x75: {  	[sflag:s18] =	ssyncset.done $0x0  }
0x76: {  	[sflag:s18] =	ssyncadd.s32 $0xFFFFC000  }
0x77: {  	[hbm4b:s8+s2] =	stream.linear.scatter [tilespmem:s14], [sflag:$0x5], $0x4000, $0x38;
	[tilespmem:$0x10180] =	vst v63  }
0x78: {  	_ =	swait.ge [sflag:s20], $0x4000  }
0x79: {  	[sflag:s20] =	ssyncset.done $0x0  }
0x7a: {  	[sflag:s20] =	ssyncadd.s32 $0xFFFFC000  }
0x7b: {  	[hbm4b:s7+s2] =	stream.linear.scatter [tilespmem:s13], [sflag:$0x5], $0x4000, $0x38;
	[tilespmem:$0x10180] =	vst v63  }
0x7c: {  	_ =	swait.ge [sflag:s16], $0x4000  }
0x7d: {  	[sflag:s16] =	ssyncset.done $0x0  }
0x7e: {  	[sflag:s16] =	ssyncadd.s32 $0xFFFFC000  }
0x7f: {  	[hbm4b:s5+s2] =	stream.linear.scatter [tilespmem:s11], [sflag:$0x5], $0x4000, $0x38;
	[tilespmem:$0x10180] =	vst v63  }
0x80: {  	_ =	swait.ge [sflag:s19], $0x4000  }
0x81: {  	[sflag:s19] =	ssyncset.done $0x0  }
0x82: {  	[sflag:s19] =	ssyncadd.s32 $0xFFFFC000  }
0x83: {  	[hbm4b:s6+s2] =	stream.linear.scatter [tilespmem:s9], [sflag:$0x5], $0x4000, $0x38;
	[tilespmem:$0x10180] =	vst v63  }
0x84: {  	_ =	swait.ge [sflag:s10], $0x4000  }
0x85: {  	[sflag:s10] =	ssyncset.done $0x0  }
0x86: {  	[sflag:s10] =	ssyncadd.s32 $0xFFFFC000  }
0x87: {  	_ =	swait.ge [sflag:s10], $0x4000  }
0x88: {  	[sflag:s10] =	ssyncset.done $0x0  }
0x89: {  	[sflag:s10] =	ssyncadd.s32 $0xFFFFC000  }
0x8a: {  	_ =	swait.ge [sflag:s10], $0x4000  }
0x8b: {  	[sflag:s10] =	ssyncset.done $0x0  }
0x8c: {  	[sflag:s10] =	ssyncadd.s32 $0xFFFFC000  }
0x8d: {  	_ =	swait.ge [sflag:s10], $0x4000  }
0x8e: {  	[sflag:s10] =	ssyncset.done $0x0  }
0x8f: {  	[sflag:s10] =	ssyncadd.s32 $0xFFFFC000  }
0x90: {  	_ =	sfence.sel $0x180000  }
0x91: {  	[bflag:$0x0] =	sbarrier.arrive $0xFFFF  }
0x92: {  	p0 =	sne.s32 s0, $0x0;
	_ =	strace $0x90000047  }
0x93: {  	s0 =	sadd.s32 @!p0 $0x100000, s1;
	[bflag:$0x2] =	sbarrier.arrive $0xFFFF  }
0x94: {  	[sflag:s0] =	ssyncadd.tile.s32 @!p0 $0x1;
	_ =	shalt  }
.Lfunc_end2:
_tile_overlayer_lowered:
.L_overlay_start_2:
0x95: {  	(tag) =	ssettag $0x2  }
0x96: {  	s0 =	rddreg [dreg:$0x0];
	s2 =	stileid.u32  }
0x97: {  	s1 =	rddreg [dreg:$0x1];
	p0 =	sne.s32 s2, $0x0  }
0x98: {  	s3 =	rddreg [dreg:$0x2];
	[bflag:$0x3] =	sbarrier.arrive $0xFFFF;
	s2 =	simm.s32 @!p0 $0x1C06  }
0x99: {  	[timem:s3], [sflag:s2] =	dma.local @!p0 [hbm:s0], s1  }
0x9a: {  	s0 =	simm.s32 @!p0 $0x6  }
0x9b: {  	_ =	swait.ge @!p0 [sflag:s0], s1  }
0x9c: {  	s1 =	ssub.s32 @!p0 $0x0, s1;
	[sflag:s0] =	ssyncset.done @!p0 $0x0  }
0x9d: {  	[sflag:s0] =	ssyncadd.s32 @!p0 s1  }
0x9e: {  	[bflag:$0x3] =	sbarrier.arrive $0xFFFF  }
0x9f: {  	_ =	shalt  }

</sc_bundles>
